<compile_context>
chip_gen: v7x
topology: tpu7x:2x2x1
jax: 0.10.2.dev20260603
libtpu: 0.0.44.dev20260713+nightly
codegen_flags: <defaults>
</compile_context>

<pallas_src>
import functools

import jax
import jax.numpy as jnp
from jax import lax
from jax.experimental import pallas as pl
from jax.experimental.pallas import tpu as pltpu
from jax.experimental.pallas import tpu_sc as plsc

S = 2048
H = 768
NH = 12
HD = 64
NR = 14
NSH = 2
TOPK = 2
INTER = 768
BLK = 128
NBLK = 46
PAD = NBLK * BLK
NE = TOPK * S
F32 = jnp.float32
I32 = jnp.int32
_SCALE = 1.0 / (HD ** 0.5)
_SQRT_HALF = 0.7071067811865476


def _ln(h, g, b):
    m = jnp.mean(h, axis=-1, keepdims=True)
    c = h - m
    v = jnp.mean(c * c, axis=-1, keepdims=True)
    return c * lax.rsqrt(v + 1e-5) * g + b


def _gelu(x):
    return 0.5 * x * (1.0 + lax.erf(x * _SQRT_HALF))


_QB = 256
_NQ = S // _QB


def _attn_body(x_ref, g_ref, b_ref, wq_ref, bq_ref, wk_ref, bk_ref,
               wv_ref, bv_ref, o_ref, q_s, k_s, v_s):
    j = pl.program_id(0)

    @pl.when(j < _NQ)
    def _():
        h = _ln(x_ref[...], g_ref[...], b_ref[...])
        i = j * _QB
        q_s[pl.ds(i, _QB), :] = (jnp.dot(h, wq_ref[...],
                                         preferred_element_type=F32)
                                 + bq_ref[...]) * _SCALE
        k_s[pl.ds(i, _QB), :] = (jnp.dot(h, wk_ref[...],
                                         preferred_element_type=F32)
                                 + bk_ref[...])
        v_s[pl.ds(i, _QB), :] = (jnp.dot(h, wv_ref[...],
                                         preferred_element_type=F32)
                                 + bv_ref[...])

    @pl.when(j >= _NQ)
    def _():
        hp = j - _NQ
        c0 = pl.multiple_of(hp * 2 * HD, 2 * HD)
        qp = q_s[:, pl.ds(c0, 2 * HD)]
        kp = k_s[:, pl.ds(c0, 2 * HD)]
        vp = v_s[:, pl.ds(c0, 2 * HD)]
        for t in range(2):
            q = qp[:, t * HD:(t + 1) * HD]
            k = kp[:, t * HD:(t + 1) * HD]
            v = vp[:, t * HD:(t + 1) * HD]
            s = lax.dot_general(q, k, (((1,), (1,)), ((), ())),
                                preferred_element_type=F32)
            p = jnp.exp(s)
            ve = jnp.concatenate([v, jnp.ones((S, 1), F32)], axis=1)
            r = jnp.dot(p, ve, preferred_element_type=F32)
            o_ref[:, t * HD:(t + 1) * HD] = r[:, :HD] / r[:, HD:HD + 1]


def _attn_call(x, g, b, wq, bq, wk, bk, wv, bv):
    hw = 2 * HD
    full = pl.BlockSpec((H, H), lambda j: (0, 0))
    vec = pl.BlockSpec((1, H), lambda j: (0, 0))
    xrow = pl.BlockSpec((_QB, H), lambda j: (jnp.minimum(j, _NQ - 1), 0))
    return pl.pallas_call(
        _attn_body,
        grid=(_NQ + NH // 2,),
        in_specs=[xrow, vec, vec, full, vec, full, vec, full, vec],
        out_specs=pl.BlockSpec((S, hw),
                               lambda j: (0, jnp.maximum(j - _NQ, 0))),
        out_shape=jax.ShapeDtypeStruct((S, H), F32),
        scratch_shapes=[pltpu.VMEM((S, H), F32)] * 3,
    )(x, g, b, wq, bq, wk, bk, wv, bv)


def _post_body(ctx_ref, wo_ref, bo_ref, x_ref, g2_ref, b2_ref, wr_ref, br_ref,
               a_ref, h2_ref, tv_ref, dest_ref, be_ref):
    a = jnp.dot(ctx_ref[...], wo_ref[...], preferred_element_type=F32)
    a = a + bo_ref[...] + x_ref[...]
    a_ref[...] = a
    h2 = _ln(a, g2_ref[...], b2_ref[...])
    h2_ref[...] = h2

    logits = jnp.dot(h2, wr_ref[...], preferred_element_type=F32) + br_ref[...]
    mx = jnp.max(logits, axis=1, keepdims=True)
    ex = jnp.exp(logits - mx)
    aff = ex / jnp.sum(ex, axis=1, keepdims=True)

    lane = lax.broadcasted_iota(I32, (S, NR), 1)
    m1 = jnp.max(aff, axis=1, keepdims=True)
    i1 = jnp.min(jnp.where(aff == m1, lane, NR), axis=1, keepdims=True)
    aff2 = jnp.where(lane == i1, -1.0, aff)
    m2 = jnp.max(aff2, axis=1, keepdims=True)
    i2 = jnp.min(jnp.where(aff2 == m2, lane, NR), axis=1, keepdims=True)
    tv_ref[...] = jnp.concatenate([m1, m2], axis=1)

    o0 = (lane == i1).astype(F32)
    o1 = (lane == i2).astype(F32)
    oh = jnp.concatenate([o0, o1], axis=0)

    ch = 512
    tril = (lax.broadcasted_iota(I32, (ch, ch), 0) >
            lax.broadcasted_iota(I32, (ch, ch), 1)).astype(F32)
    run = jnp.zeros((1, NR), F32)
    pos_chunks = []
    for c in range(NE // ch):
        oc = oh[c * ch:(c + 1) * ch]
        within = jnp.dot(tril, oc, preferred_element_type=F32)
        pos_chunks.append(within + run)
        run = run + jnp.sum(oc, axis=0, keepdims=True)

    pc = jnp.ceil(run * (1.0 / BLK)) * BLK
    sut = (lax.broadcasted_iota(I32, (NR, NR), 0) <
           lax.broadcasted_iota(I32, (NR, NR), 1)).astype(F32)
    base = jnp.dot(pc, sut, preferred_element_type=F32)

    for c in range(NE // ch):
        oc = oh[c * ch:(c + 1) * ch]
        dst = jnp.sum((pos_chunks[c] + base) * oc, axis=1)
        dest_ref[pl.ds(c * ch, ch)] = dst.astype(I32)

    ends = base + pc
    bio = lax.broadcasted_iota(I32, (64, NR), 0).astype(F32) * float(BLK)
    be = jnp.sum((bio >= ends).astype(F32), axis=1)
    be_ref[...] = jnp.minimum(be, NR - 1).astype(I32)


def _post_call(ctx, wo, bo, x, g2, b2, wr, br):
    full = pl.BlockSpec((S, H), lambda: (0, 0))
    vec = pl.BlockSpec((1, H), lambda: (0, 0))
    return pl.pallas_call(
        _post_body,
        in_specs=[full, pl.BlockSpec((H, H), lambda: (0, 0)), vec, full,
                  vec, vec, pl.BlockSpec((H, NR), lambda: (0, 0)),
                  pl.BlockSpec((1, NR), lambda: (0, 0))],
        out_specs=[full, full, pl.BlockSpec((S, TOPK), lambda: (0, 0)),
                   pl.BlockSpec((NE,), lambda: (0,)),
                   pl.BlockSpec((64,), lambda: (0,))],
        out_shape=[jax.ShapeDtypeStruct((S, H), F32),
                   jax.ShapeDtypeStruct((S, H), F32),
                   jax.ShapeDtypeStruct((S, TOPK), F32),
                   jax.ShapeDtypeStruct((NE,), I32),
                   jax.ShapeDtypeStruct((64,), I32)],
    )(ctx, wo, bo, x, g2, b2, wr, br)


def _moe_body(be_ref, hs_ref, w1_ref, b1_ref, w2_ref, b2_ref, out_ref):
    act = _gelu(jnp.dot(hs_ref[...], w1_ref[0], preferred_element_type=F32)
                + b1_ref[0])
    out_ref[...] = (jnp.dot(act, w2_ref[0], preferred_element_type=F32)
                    + b2_ref[0])


def _moe_call(be, hs, rw1, rb1, rw2, rb2):
    grid_spec = pltpu.PrefetchScalarGridSpec(
        num_scalar_prefetch=1,
        grid=(NBLK,),
        in_specs=[
            pl.BlockSpec((BLK, H), lambda i, be: (i, 0)),
            pl.BlockSpec((1, H, INTER), lambda i, be: (be[i], 0, 0)),
            pl.BlockSpec((1, 1, INTER), lambda i, be: (be[i], 0, 0)),
            pl.BlockSpec((1, INTER, H), lambda i, be: (be[i], 0, 0)),
            pl.BlockSpec((1, 1, H), lambda i, be: (be[i], 0, 0)),
        ],
        out_specs=pl.BlockSpec((BLK, H), lambda i, be: (i, 0)),
    )
    return pl.pallas_call(
        _moe_body,
        grid_spec=grid_spec,
        out_shape=jax.ShapeDtypeStruct((PAD, H), F32),
    )(be, hs, rw1, rb1.reshape(NR, 1, INTER), rw2, rb2.reshape(NR, 1, H))


_TPW = 128


@functools.lru_cache(maxsize=None)
def _sc_kernels():
    mesh = plsc.VectorSubcoreMesh(core_axis_name="c", subcore_axis_name="s")
    scratch = [pltpu.VMEM((_TPW, H), F32),
               pltpu.VMEM((_TPW,), I32),
               pltpu.SemaphoreType.DMA]

    @functools.partial(
        pl.kernel,
        out_type=jax.ShapeDtypeStruct((PAD, H), F32),
        mesh=mesh, scratch_types=scratch)
    def scatter_k(h2_hbm, dest_hbm, hs_hbm, rows_v, idx_v, sem):
        wid = lax.axis_index("s") * 2 + lax.axis_index("c")
        t0 = (wid % 16) * _TPW
        off = (wid // 16) * S + t0
        pltpu.sync_copy(h2_hbm.at[pl.ds(t0, _TPW)], rows_v)
        pltpu.sync_copy(dest_hbm.at[pl.ds(off, _TPW)], idx_v)
        pltpu.async_copy(rows_v, hs_hbm.at[idx_v], sem).wait()

    @functools.partial(
        pl.kernel,
        out_type=jax.ShapeDtypeStruct((NE, H), F32),
        mesh=mesh, scratch_types=scratch)
    def gather_k(rout_hbm, dest_hbm, g_hbm, rows_v, idx_v, sem):
        wid = lax.axis_index("s") * 2 + lax.axis_index("c")
        off = (wid // 16) * S + (wid % 16) * _TPW
        pltpu.sync_copy(dest_hbm.at[pl.ds(off, _TPW)], idx_v)
        pltpu.async_copy(rout_hbm.at[idx_v], rows_v, sem).wait()
        pltpu.sync_copy(rows_v, g_hbm.at[pl.ds(off, _TPW)])

    return scatter_k, gather_k


def _sc_scatter(h2, dest):
    return _sc_kernels()[0](h2, dest)


def _sc_gather(rout, dest):
    return _sc_kernels()[1](rout, dest)


def _final_body(h2_ref, w1_ref, b1_ref, w2_ref, b2_ref, a_ref,
                g0_ref, g1_ref, tv_ref, out_ref):
    h = h2_ref[...]
    acc = (a_ref[...] + h
           + tv_ref[:, 0:1] * g0_ref[...] + tv_ref[:, 1:2] * g1_ref[...])
    for e in range(NSH):
        act = _gelu(jnp.dot(h, w1_ref[e], preferred_element_type=F32)
                    + b1_ref[e:e + 1, :])
        acc = acc + (jnp.dot(act, w2_ref[e], preferred_element_type=F32)
                     + b2_ref[e:e + 1, :])
    out_ref[...] = acc


def _final_call(h2, sw1, sb1, sw2, sb2, a, g, tv):
    blk = 512
    row = pl.BlockSpec((blk, H), lambda i: (i, 0))
    return pl.pallas_call(
        _final_body,
        grid=(S // blk,),
        in_specs=[row,
                  pl.BlockSpec((NSH, H, INTER), lambda i: (0, 0, 0)),
                  pl.BlockSpec((NSH, INTER), lambda i: (0, 0)),
                  pl.BlockSpec((NSH, INTER, H), lambda i: (0, 0, 0)),
                  pl.BlockSpec((NSH, H), lambda i: (0, 0)),
                  row,
                  pl.BlockSpec((blk, H), lambda i: (i, 0)),
                  pl.BlockSpec((blk, H), lambda i: (i + S // blk, 0)),
                  pl.BlockSpec((blk, TOPK), lambda i: (i, 0))],
        out_specs=row,
        out_shape=jax.ShapeDtypeStruct((S, H), F32),
    )(h2, sw1, sb1, sw2, sb2, a, g, g, tv)


def kernel(x, ln1_g, ln1_b, ln2_g, ln2_b, Wq, bq, Wk, bk, Wv, bv, Wo, bo,
           Wr, br, sW1, sb1, sW2, sb2, rW1, rb1, rW2, rb2):
    x2 = x.reshape(S, H)
    r = lambda t: t.reshape(1, -1)
    ctx = _attn_call(x2, r(ln1_g), r(ln1_b), Wq, r(bq), Wk, r(bk), Wv, r(bv))
    a, h2, tv, dest, be = _post_call(ctx, Wo, r(bo), x2,
                                     r(ln2_g), r(ln2_b), Wr, r(br))
    hs = _sc_scatter(h2, dest)
    rout = _moe_call(be, hs, rW1, rb1, rW2, rb2)
    g = _sc_gather(rout, dest)
    out = _final_call(h2, sW1, sb1, sW2, sb2, a, g, tv)
    return out.reshape(1, S, H)

# --- scband reference (transcript-rebuilt; emitter-appended) ---
"""Pipeline reference for scband-transformer-block-18313740550638 (READ-ONLY COPY).

The authoritative reference and input builder live on the scoring server;
editing this copy changes nothing except your own understanding.
"""

import jax, jax.numpy as jnp
import numpy as np

B, S = 1, 2048
H_DIM, NH, HD = 768, 12, 64
NUM_EXPERTS, NS = 16, 2
NR = NUM_EXPERTS - NS            # routed experts = 14
TOPK = 4 - NS                    # activated routed = 2
FFN_SCALE, EXPERT_SCALE = 4.0, 0.25
INTER = int(int(H_DIM * FFN_SCALE) * EXPERT_SCALE)  # 768


def setup_inputs(seed: int = 0) -> dict:
    key = jax.random.key(seed)
    ks = jax.random.split(key, 16)
    def nrm(k, shape, s=0.02):
        return jax.random.normal(k, shape, dtype=jnp.float32) * s
    inp = {
        "x": jax.random.normal(ks[0], (B, S, H_DIM), dtype=jnp.float32),
        "ln1_g": jnp.ones((H_DIM,), jnp.float32),
        "ln1_b": jnp.zeros((H_DIM,), jnp.float32),
        "ln2_g": jnp.ones((H_DIM,), jnp.float32),
        "ln2_b": jnp.zeros((H_DIM,), jnp.float32),
        "Wq": nrm(ks[1], (H_DIM, NH * HD)), "bq": jnp.zeros((NH * HD,), jnp.float32),
        "Wk": nrm(ks[2], (H_DIM, NH * HD)), "bk": jnp.zeros((NH * HD,), jnp.float32),
        "Wv": nrm(ks[3], (H_DIM, NH * HD)), "bv": jnp.zeros((NH * HD,), jnp.float32),
        "Wo": nrm(ks[4], (NH * HD, H_DIM)), "bo": jnp.zeros((H_DIM,), jnp.float32),
        "Wr": nrm(ks[5], (H_DIM, NR)), "br": jnp.zeros((NR,), jnp.float32),
        "sW1": nrm(ks[6], (NS, H_DIM, INTER)), "sb1": jnp.zeros((NS, INTER), jnp.float32),
        "sW2": nrm(ks[7], (NS, INTER, H_DIM)), "sb2": jnp.zeros((NS, H_DIM), jnp.float32),
        "rW1": nrm(ks[8], (NR, H_DIM, INTER)), "rb1": jnp.zeros((NR, INTER), jnp.float32),
        "rW2": nrm(ks[9], (NR, INTER, H_DIM)), "rb2": jnp.zeros((NR, H_DIM), jnp.float32),
    }
    return inp


def _layernorm(h, g, b):
    m = jnp.mean(h, axis=-1, keepdims=True)
    v = jnp.var(h, axis=-1, keepdims=True)
    return (h - m) / jnp.sqrt(v + 1e-5) * g + b


def reference(x, ln1_g, ln1_b, ln2_g, ln2_b, Wq, bq, Wk, bk, Wv, bv, Wo, bo,
              Wr, br, sW1, sb1, sW2, sb2, rW1, rb1, rW2, rb2):
    scale = 1.0 / np.sqrt(HD)

    def mha(h):
        q = (h @ Wq + bq).reshape(B, S, NH, HD).transpose(0, 2, 1, 3)
        k = (h @ Wk + bk).reshape(B, S, NH, HD).transpose(0, 2, 1, 3)
        v = (h @ Wv + bv).reshape(B, S, NH, HD).transpose(0, 2, 1, 3)
        scores = jnp.matmul(q, k.transpose(0, 1, 3, 2)) * scale
        attn = jax.nn.softmax(scores, axis=-1)
        ctx = jnp.matmul(attn, v).transpose(0, 2, 1, 3).reshape(B, S, NH * HD)
        return ctx @ Wo + bo

    def moe(h):
        # shared experts (always active)
        s_act = jax.nn.gelu(jnp.einsum('bsh,ehi->besi', h, sW1) + sb1[None, :, None, :], approximate=False)
        s_out = jnp.einsum('besi,eih->besh', s_act, sW2) + sb2[None, :, None, :]
        shared = jnp.sum(s_out, axis=1)
        # router + top-k gating with scatter of topk values into dense gate tensor
        logits = h @ Wr + br
        aff = jax.nn.softmax(logits, axis=-1)
        tv, ti = jax.lax.top_k(aff, TOPK)
        gates = jnp.sum(tv[..., None] * jax.nn.one_hot(ti, NR, dtype=h.dtype), axis=-2)  # (B,S,NR)
        # routed experts (dense over experts, matching torch loop)
        r_act = jax.nn.gelu(jnp.einsum('bsh,ehi->besi', h, rW1) + rb1[None, :, None, :], approximate=False)
        r_out = jnp.einsum('besi,eih->besh', r_act, rW2) + rb2[None, :, None, :]
        routed = jnp.einsum('bse,besh->bsh', gates, r_out)
        return shared + routed + h

    a = mha(_layernorm(x, ln1_g, ln1_b)) + x
    out = moe(_layernorm(a, ln2_g, ln2_b)) + a
    return out

if __name__ == "__main__":
    import jax
    _d = setup_inputs()
    print(jax.jit(kernel)(*tuple(_d.values())))

</pallas_src>

<mosaic_0001>
#map = affine_map<(d0, d1) -> (0, 0)>
#map1 = affine_map<(d0, d1) -> (0)>
module attributes {stable_mosaic.version = 14 : i64} {
  func.func @scatter_k(%arg0: i32, %arg1: i32, %arg2: memref<2048x768xf32, #tpu.memory_space<hbm>>, %arg3: memref<4096xi32, #tpu.memory_space<hbm>>, %arg4: memref<5888x768xf32, #tpu.memory_space<hbm>>, %arg5: memref<128x768xf32, #tpu.memory_space<vmem>>, %arg6: memref<128xi32, #tpu.memory_space<vmem>>, %arg7: memref<!tpu.dma_semaphore, #tpu.memory_space<semaphore_mem>>) attributes {dimension_semantics = [#tpu.dimension_semantics<core_parallel>, #tpu.dimension_semantics<subcore_parallel>], iteration_bounds = array<i64: 2, 16>, scalar_prefetch = 0 : i64, scratch_operands = 3 : i64, tpu.core_type = #tpu.core_type<sc_vector_subcore>, window_params = [{transform_indices = #map}, {transform_indices = #map1}, {transform_indices = #map}]} {
    %mul3A = arith.constant 2 : i32
    %mul3A_0 = arith.muli %arg1, %mul3A : i32
    %add3A = arith.addi %mul3A_0, %arg0 : i32
    %jit3A = arith.constant 16 : i32
    %eq3A = arith.constant 0 : i32
    %eq3A_1 = arith.cmpi eq, %jit3A, %eq3A : i32
    %jit3A_2 = arith.constant 1 : i32
    %select_n3A = arith.select %eq3A_1, %jit3A_2, %jit3A : i32
    %rem3A = arith.remsi %add3A, %select_n3A : i32
    %ne3A = arith.constant 0 : i32
    %ne3A_3 = arith.cmpi ne, %rem3A, %ne3A : i32
    %lt3A = arith.constant 0 : i32
    %lt3A_4 = arith.cmpi slt, %rem3A, %lt3A : i32
    %lt3A_5 = arith.constant 0 : i32
    %lt3A_6 = arith.cmpi slt, %select_n3A, %lt3A_5 : i32
    %ne3A_7 = arith.xori %lt3A_4, %lt3A_6 : i1
    %and3A = arith.andi %ne3A_7, %ne3A_3 : i1
    %add3A_8 = arith.addi %rem3A, %select_n3A : i32
    %select_n3A_9 = arith.select %and3A, %add3A_8, %rem3A : i32
    %mul3A_10 = arith.constant 128 : i32
    %mul3A_11 = arith.muli %select_n3A_9, %mul3A_10 : i32
    %jit3A_12 = arith.constant 16 : i32
    %div3A = arith.divsi %add3A, %jit3A_12 : i32
    %sign3A = arith.constant 0 : i32
    %sign3A_13 = arith.cmpi sgt, %add3A, %sign3A : i32
    %sign3A_14 = arith.extui %sign3A_13 : i1 to i32
    %sign3A_15 = arith.constant 0 : i32
    %sign3A_16 = arith.cmpi slt, %add3A, %sign3A_15 : i32
    %sign3A_17 = arith.extui %sign3A_16 : i1 to i32
    %sign3A_18 = arith.subi %sign3A_14, %sign3A_17 : i32
    %sign3A_19 = arith.constant 0 : i32
    %sign3A_20 = arith.cmpi sgt, %jit3A_12, %sign3A_19 : i32
    %sign3A_21 = arith.extui %sign3A_20 : i1 to i32
    %sign3A_22 = arith.constant 0 : i32
    %sign3A_23 = arith.cmpi slt, %jit3A_12, %sign3A_22 : i32
    %sign3A_24 = arith.extui %sign3A_23 : i1 to i32
    %sign3A_25 = arith.subi %sign3A_21, %sign3A_24 : i32
    %ne3A_26 = arith.cmpi ne, %sign3A_18, %sign3A_25 : i32
    %rem3A_27 = arith.remsi %add3A, %jit3A_12 : i32
    %ne3A_28 = arith.constant 0 : i32
    %ne3A_29 = arith.cmpi ne, %rem3A_27, %ne3A_28 : i32
    %and3A_30 = arith.andi %ne3A_26, %ne3A_29 : i1
    %sub3A = arith.constant 1 : i32
    %sub3A_31 = arith.subi %div3A, %sub3A : i32
    %select_n3A_32 = arith.select %and3A_30, %sub3A_31, %div3A : i32
    %mul3A_33 = arith.constant 2048 : i32
    %mul3A_34 = arith.muli %select_n3A_32, %mul3A_33 : i32
    %add3A_35 = arith.addi %mul3A_34, %mul3A_11 : i32
    "tpu.region"() ({
      %run_scoped3A = tpu.sem_alloc : memref<!tpu.dma_semaphore, #tpu.memory_space<semaphore_mem>>
      %dma_start3A_40 = arith.constant 0 : i32
      %dma_start3A_41 = tpu.memref_slice %arg2[%mul3A_11, %dma_start3A_40] : memref<2048x768xf32, #tpu.memory_space<hbm>> -> memref<128x768xf32, #tpu.memory_space<hbm>>
      %dma_start3A_42 = arith.constant 0 : i32
      %dma_start3A_43 = tpu.memref_slice %arg2[%mul3A_11, %dma_start3A_42] : memref<2048x768xf32, #tpu.memory_space<hbm>> -> memref<128x768xf32, #tpu.memory_space<hbm>>
      tpu.enqueue_dma source(%dma_start3A_43 : memref<128x768xf32, #tpu.memory_space<hbm>>) target(%arg5 : memref<128x768xf32, #tpu.memory_space<vmem>>) target_semaphore(%run_scoped3A : memref<!tpu.dma_semaphore, #tpu.memory_space<semaphore_mem>>)
      %dma_wait3A_44 = arith.constant 0 : i32
      %dma_wait3A_45 = tpu.memref_slice %arg2[%mul3A_11, %dma_wait3A_44] : memref<2048x768xf32, #tpu.memory_space<hbm>> -> memref<128x768xf32, #tpu.memory_space<hbm>>
      %dma_wait3A_46 = arith.constant 0 : i32
      %dma_wait3A_47 = tpu.memref_slice %arg2[%mul3A_11, %dma_wait3A_46] : memref<2048x768xf32, #tpu.memory_space<hbm>> -> memref<128x768xf32, #tpu.memory_space<hbm>>
      tpu.wait_dma2 semaphore(%run_scoped3A : memref<!tpu.dma_semaphore, #tpu.memory_space<semaphore_mem>>) src(%dma_wait3A_47 : memref<128x768xf32, #tpu.memory_space<hbm>>) dst(%arg5 : memref<128x768xf32, #tpu.memory_space<vmem>>)
      tpu.yield
    }) : () -> ()
    "tpu.region"() ({
      %run_scoped3A = tpu.sem_alloc : memref<!tpu.dma_semaphore, #tpu.memory_space<semaphore_mem>>
      %dma_start3A_40 = tpu.memref_slice %arg3[%add3A_35] : memref<4096xi32, #tpu.memory_space<hbm>> -> memref<128xi32, #tpu.memory_space<hbm>>
      %dma_start3A_41 = tpu.memref_slice %arg3[%add3A_35] : memref<4096xi32, #tpu.memory_space<hbm>> -> memref<128xi32, #tpu.memory_space<hbm>>
      tpu.enqueue_dma source(%dma_start3A_41 : memref<128xi32, #tpu.memory_space<hbm>>) target(%arg6 : memref<128xi32, #tpu.memory_space<vmem>>) target_semaphore(%run_scoped3A : memref<!tpu.dma_semaphore, #tpu.memory_space<semaphore_mem>>)
      %dma_wait3A_42 = tpu.memref_slice %arg3[%add3A_35] : memref<4096xi32, #tpu.memory_space<hbm>> -> memref<128xi32, #tpu.memory_space<hbm>>
      %dma_wait3A_43 = tpu.memref_slice %arg3[%add3A_35] : memref<4096xi32, #tpu.memory_space<hbm>> -> memref<128xi32, #tpu.memory_space<hbm>>
      tpu.wait_dma2 semaphore(%run_scoped3A : memref<!tpu.dma_semaphore, #tpu.memory_space<semaphore_mem>>) src(%dma_wait3A_43 : memref<128xi32, #tpu.memory_space<hbm>>) dst(%arg6 : memref<128xi32, #tpu.memory_space<vmem>>)
      tpu.yield
    }) : () -> ()
    %dma_start3A = arith.constant 0 : i32
    %dma_start3A_36 = arith.constant 0 : i32
    %dma_start3A_37 = tpu.memref_slice %arg4[%dma_start3A, %dma_start3A_36] : memref<5888x768xf32, #tpu.memory_space<hbm>> -> memref<5888x768xf32, #tpu.memory_space<hbm>>
    tpu.enqueue_indirect_dma source(%arg5 : memref<128x768xf32, #tpu.memory_space<vmem>>) target(%dma_start3A_37 : memref<5888x768xf32, #tpu.memory_space<hbm>>) offsets(%arg6 : memref<128xi32, #tpu.memory_space<vmem>>) semaphore(%arg7 : memref<!tpu.dma_semaphore, #tpu.memory_space<semaphore_mem>>)
    %dma_wait3A = arith.constant 0 : i32
    %dma_wait3A_38 = arith.constant 0 : i32
    %dma_wait3A_39 = tpu.memref_slice %arg4[%dma_wait3A, %dma_wait3A_38] : memref<5888x768xf32, #tpu.memory_space<hbm>> -> memref<5888x768xf32, #tpu.memory_space<hbm>>
    tpu.wait_indirect_dma semaphore(%arg7 : memref<!tpu.dma_semaphore, #tpu.memory_space<semaphore_mem>>) src(%arg5 : memref<128x768xf32, #tpu.memory_space<vmem>>) dst(%dma_wait3A_39 : memref<5888x768xf32, #tpu.memory_space<hbm>>)
    return
  }
}

#map = affine_map<(d0, d1) -> (0, 0)>
#map1 = affine_map<(d0, d1) -> (0)>
module attributes {stable_mosaic.version = 14 : i64} {
  func.func @gather_k(%arg0: i32, %arg1: i32, %arg2: memref<5888x768xf32, #tpu.memory_space<hbm>>, %arg3: memref<4096xi32, #tpu.memory_space<hbm>>, %arg4: memref<4096x768xf32, #tpu.memory_space<hbm>>, %arg5: memref<128x768xf32, #tpu.memory_space<vmem>>, %arg6: memref<128xi32, #tpu.memory_space<vmem>>, %arg7: memref<!tpu.dma_semaphore, #tpu.memory_space<semaphore_mem>>) attributes {dimension_semantics = [#tpu.dimension_semantics<core_parallel>, #tpu.dimension_semantics<subcore_parallel>], iteration_bounds = array<i64: 2, 16>, scalar_prefetch = 0 : i64, scratch_operands = 3 : i64, tpu.core_type = #tpu.core_type<sc_vector_subcore>, window_params = [{transform_indices = #map}, {transform_indices = #map1}, {transform_indices = #map}]} {
    %mul3A = arith.constant 2 : i32
    %mul3A_0 = arith.muli %arg1, %mul3A : i32
    %add3A = arith.addi %mul3A_0, %arg0 : i32
    %jit3A = arith.constant 16 : i32
    %div3A = arith.divsi %add3A, %jit3A : i32
    %sign3A = arith.constant 0 : i32
    %sign3A_1 = arith.cmpi sgt, %add3A, %sign3A : i32
    %sign3A_2 = arith.extui %sign3A_1 : i1 to i32
    %sign3A_3 = arith.constant 0 : i32
    %sign3A_4 = arith.cmpi slt, %add3A, %sign3A_3 : i32
    %sign3A_5 = arith.extui %sign3A_4 : i1 to i32
    %sign3A_6 = arith.subi %sign3A_2, %sign3A_5 : i32
    %sign3A_7 = arith.constant 0 : i32
    %sign3A_8 = arith.cmpi sgt, %jit3A, %sign3A_7 : i32
    %sign3A_9 = arith.extui %sign3A_8 : i1 to i32
    %sign3A_10 = arith.constant 0 : i32
    %sign3A_11 = arith.cmpi slt, %jit3A, %sign3A_10 : i32
    %sign3A_12 = arith.extui %sign3A_11 : i1 to i32
    %sign3A_13 = arith.subi %sign3A_9, %sign3A_12 : i32
    %ne3A = arith.cmpi ne, %sign3A_6, %sign3A_13 : i32
    %rem3A = arith.remsi %add3A, %jit3A : i32
    %ne3A_14 = arith.constant 0 : i32
    %ne3A_15 = arith.cmpi ne, %rem3A, %ne3A_14 : i32
    %and3A = arith.andi %ne3A, %ne3A_15 : i1
    %sub3A = arith.constant 1 : i32
    %sub3A_16 = arith.subi %div3A, %sub3A : i32
    %select_n3A = arith.select %and3A, %sub3A_16, %div3A : i32
    %mul3A_17 = arith.constant 2048 : i32
    %mul3A_18 = arith.muli %select_n3A, %mul3A_17 : i32
    %jit3A_19 = arith.constant 16 : i32
    %eq3A = arith.constant 0 : i32
    %eq3A_20 = arith.cmpi eq, %jit3A_19, %eq3A : i32
    %jit3A_21 = arith.constant 1 : i32
    %select_n3A_22 = arith.select %eq3A_20, %jit3A_21, %jit3A_19 : i32
    %rem3A_23 = arith.remsi %add3A, %select_n3A_22 : i32
    %ne3A_24 = arith.constant 0 : i32
    %ne3A_25 = arith.cmpi ne, %rem3A_23, %ne3A_24 : i32
    %lt3A = arith.constant 0 : i32
    %lt3A_26 = arith.cmpi slt, %rem3A_23, %lt3A : i32
    %lt3A_27 = arith.constant 0 : i32
    %lt3A_28 = arith.cmpi slt, %select_n3A_22, %lt3A_27 : i32
    %ne3A_29 = arith.xori %lt3A_26, %lt3A_28 : i1
    %and3A_30 = arith.andi %ne3A_29, %ne3A_25 : i1
    %add3A_31 = arith.addi %rem3A_23, %select_n3A_22 : i32
    %select_n3A_32 = arith.select %and3A_30, %add3A_31, %rem3A_23 : i32
    %mul3A_33 = arith.constant 128 : i32
    %mul3A_34 = arith.muli %select_n3A_32, %mul3A_33 : i32
    %add3A_35 = arith.addi %mul3A_18, %mul3A_34 : i32
    "tpu.region"() ({
      %run_scoped3A = tpu.sem_alloc : memref<!tpu.dma_semaphore, #tpu.memory_space<semaphore_mem>>
      %dma_start3A_40 = tpu.memref_slice %arg3[%add3A_35] : memref<4096xi32, #tpu.memory_space<hbm>> -> memref<128xi32, #tpu.memory_space<hbm>>
      %dma_start3A_41 = tpu.memref_slice %arg3[%add3A_35] : memref<4096xi32, #tpu.memory_space<hbm>> -> memref<128xi32, #tpu.memory_space<hbm>>
      tpu.enqueue_dma source(%dma_start3A_41 : memref<128xi32, #tpu.memory_space<hbm>>) target(%arg6 : memref<128xi32, #tpu.memory_space<vmem>>) target_semaphore(%run_scoped3A : memref<!tpu.dma_semaphore, #tpu.memory_space<semaphore_mem>>)
      %dma_wait3A_42 = tpu.memref_slice %arg3[%add3A_35] : memref<4096xi32, #tpu.memory_space<hbm>> -> memref<128xi32, #tpu.memory_space<hbm>>
      %dma_wait3A_43 = tpu.memref_slice %arg3[%add3A_35] : memref<4096xi32, #tpu.memory_space<hbm>> -> memref<128xi32, #tpu.memory_space<hbm>>
      tpu.wait_dma2 semaphore(%run_scoped3A : memref<!tpu.dma_semaphore, #tpu.memory_space<semaphore_mem>>) src(%dma_wait3A_43 : memref<128xi32, #tpu.memory_space<hbm>>) dst(%arg6 : memref<128xi32, #tpu.memory_space<vmem>>)
      tpu.yield
    }) : () -> ()
    %dma_start3A = arith.constant 0 : i32
    %dma_start3A_36 = arith.constant 0 : i32
    %dma_start3A_37 = tpu.memref_slice %arg2[%dma_start3A, %dma_start3A_36] : memref<5888x768xf32, #tpu.memory_space<hbm>> -> memref<5888x768xf32, #tpu.memory_space<hbm>>
    tpu.enqueue_indirect_dma source(%dma_start3A_37 : memref<5888x768xf32, #tpu.memory_space<hbm>>) target(%arg5 : memref<128x768xf32, #tpu.memory_space<vmem>>) offsets(%arg6 : memref<128xi32, #tpu.memory_space<vmem>>) semaphore(%arg7 : memref<!tpu.dma_semaphore, #tpu.memory_space<semaphore_mem>>)
    %dma_wait3A = arith.constant 0 : i32
    %dma_wait3A_38 = arith.constant 0 : i32
    %dma_wait3A_39 = tpu.memref_slice %arg2[%dma_wait3A, %dma_wait3A_38] : memref<5888x768xf32, #tpu.memory_space<hbm>> -> memref<5888x768xf32, #tpu.memory_space<hbm>>
    tpu.wait_indirect_dma semaphore(%arg7 : memref<!tpu.dma_semaphore, #tpu.memory_space<semaphore_mem>>) src(%dma_wait3A_39 : memref<5888x768xf32, #tpu.memory_space<hbm>>) dst(%arg5 : memref<128x768xf32, #tpu.memory_space<vmem>>)
    "tpu.region"() ({
      %run_scoped3A = tpu.sem_alloc : memref<!tpu.dma_semaphore, #tpu.memory_space<semaphore_mem>>
      %dma_start3A_40 = arith.constant 0 : i32
      %dma_start3A_41 = tpu.memref_slice %arg4[%add3A_35, %dma_start3A_40] : memref<4096x768xf32, #tpu.memory_space<hbm>> -> memref<128x768xf32, #tpu.memory_space<hbm>>
      %dma_start3A_42 = arith.constant 0 : i32
      %dma_start3A_43 = tpu.memref_slice %arg4[%add3A_35, %dma_start3A_42] : memref<4096x768xf32, #tpu.memory_space<hbm>> -> memref<128x768xf32, #tpu.memory_space<hbm>>
      tpu.enqueue_dma source(%arg5 : memref<128x768xf32, #tpu.memory_space<vmem>>) target(%dma_start3A_43 : memref<128x768xf32, #tpu.memory_space<hbm>>) target_semaphore(%run_scoped3A : memref<!tpu.dma_semaphore, #tpu.memory_space<semaphore_mem>>)
      %dma_wait3A_44 = arith.constant 0 : i32
      %dma_wait3A_45 = tpu.memref_slice %arg4[%add3A_35, %dma_wait3A_44] : memref<4096x768xf32, #tpu.memory_space<hbm>> -> memref<128x768xf32, #tpu.memory_space<hbm>>
      %dma_wait3A_46 = arith.constant 0 : i32
      %dma_wait3A_47 = tpu.memref_slice %arg4[%add3A_35, %dma_wait3A_46] : memref<4096x768xf32, #tpu.memory_space<hbm>> -> memref<128x768xf32, #tpu.memory_space<hbm>>
      tpu.wait_dma2 semaphore(%run_scoped3A : memref<!tpu.dma_semaphore, #tpu.memory_space<semaphore_mem>>) src(%arg5 : memref<128x768xf32, #tpu.memory_space<vmem>>) dst(%dma_wait3A_47 : memref<128x768xf32, #tpu.memory_space<hbm>>)
      tpu.yield
    }) : () -> ()
    return
  }
}

module attributes {stable_mosaic.version = 14 : i64} {
  func.func @_post_body(%arg0: memref<2048x768xf32, #tpu.memory_space<vmem>>, %arg1: memref<768x768xf32, #tpu.memory_space<vmem>>, %arg2: memref<1x768xf32, #tpu.memory_space<vmem>>, %arg3: memref<2048x768xf32, #tpu.memory_space<vmem>>, %arg4: memref<1x768xf32, #tpu.memory_space<vmem>>, %arg5: memref<1x768xf32, #tpu.memory_space<vmem>>, %arg6: memref<768x14xf32, #tpu.memory_space<vmem>>, %arg7: memref<1x14xf32, #tpu.memory_space<vmem>>, %arg8: memref<2048x768xf32, #tpu.memory_space<vmem>>, %arg9: memref<2048x768xf32, #tpu.memory_space<vmem>>, %arg10: memref<2048x2xf32, #tpu.memory_space<vmem>>, %arg11: memref<4096xi32, #tpu.memory_space<vmem>>, %arg12: memref<64xi32, #tpu.memory_space<vmem>>) attributes {dimension_semantics = [], scalar_prefetch = 0 : i64, scratch_operands = 0 : i64, tpu.core_type = #tpu.core_type<tc>} {
    %get3A = arith.constant 0 : index
    %get3A_0 = arith.constant 0 : index
    %get3A_1 = vector.load %arg0[%get3A, %get3A_0] : memref<2048x768xf32, #tpu.memory_space<vmem>>, vector<2048x768xf32>
    %get3A_2 = arith.constant 0 : index
    %get3A_3 = arith.constant 0 : index
    %get3A_4 = vector.load %arg1[%get3A_2, %get3A_3] : memref<768x768xf32, #tpu.memory_space<vmem>>, vector<768x768xf32>
    %dot_general3A = arith.constant dense<0.000000e+00> : vector<2048x768xf32>
    %dot_general3A_5 = tpu.matmul %get3A_1, %get3A_4, %dot_general3A {dimension_numbers = #tpu.dot_dimension_numbers<[1], [0], [0], [1], [0, 0, 1, 1], [], []>, transpose_lhs_hint = false} : vector<2048x768xf32>, vector<768x768xf32>, vector<2048x768xf32> -> vector<2048x768xf32>
    %get3A_6 = arith.constant 0 : index
    %get3A_7 = arith.constant 0 : index
    %get3A_8 = vector.load %arg2[%get3A_6, %get3A_7] : memref<1x768xf32, #tpu.memory_space<vmem>>, vector<1x768xf32>
    %add3A = vector.broadcast %get3A_8 : vector<1x768xf32> to vector<2048x768xf32>
    %add3A_9 = arith.addf %dot_general3A_5, %add3A : vector<2048x768xf32>
    %get3A_10 = arith.constant 0 : index
    %get3A_11 = arith.constant 0 : index
    %get3A_12 = vector.load %arg3[%get3A_10, %get3A_11] : memref<2048x768xf32, #tpu.memory_space<vmem>>, vector<2048x768xf32>
    %add3A_13 = arith.addf %add3A_9, %get3A_12 : vector<2048x768xf32>
    %swap3A = arith.constant 0 : index
    %swap3A_14 = arith.constant 0 : index
    %swap3A_15 = vector.load %arg8[%swap3A, %swap3A_14] : memref<2048x768xf32, #tpu.memory_space<vmem>>, vector<2048x768xf32>
    tpu.vector_store %arg8[%swap3A, %swap3A_14], %add3A_13 {strides = array<i32>} : memref<2048x768xf32, #tpu.memory_space<vmem>>, vector<2048x768xf32>,
    %get3A_16 = arith.constant 0 : index
    %get3A_17 = arith.constant 0 : index
    %get3A_18 = vector.load %arg4[%get3A_16, %get3A_17] : memref<1x768xf32, #tpu.memory_space<vmem>>, vector<1x768xf32>
    %get3A_19 = arith.constant 0 : index
    %get3A_20 = arith.constant 0 : index
    %get3A_21 = vector.load %arg5[%get3A_19, %get3A_20] : memref<1x768xf32, #tpu.memory_space<vmem>>, vector<1x768xf32>
    %reduce_sum3A = arith.constant dense<0.000000e+00> : vector<2048xf32>
    %reduce_sum3A_22 = vector.multi_reduction <add>, %add3A_13, %reduce_sum3A [1] : vector<2048x768xf32> to vector<2048xf32>
    %broadcast_in_dim3A = vector.shape_cast %reduce_sum3A_22 : vector<2048xf32> to vector<2048x1xf32>
    %div3A = arith.constant 7.680000e+02 : f32
    %div3A_23 = vector.broadcast %div3A : f32 to vector<2048x1xf32>
    %div3A_24 = arith.divf %broadcast_in_dim3A, %div3A_23 : vector<2048x1xf32>
    %sub3A = vector.broadcast %div3A_24 : vector<2048x1xf32> to vector<2048x768xf32>
    %sub3A_25 = arith.subf %add3A_13, %sub3A : vector<2048x768xf32>
    %mul3A = arith.mulf %sub3A_25, %sub3A_25 : vector<2048x768xf32>
    %reduce_sum3A_26 = arith.constant dense<0.000000e+00> : vector<2048xf32>
    %reduce_sum3A_27 = vector.multi_reduction <add>, %mul3A, %reduce_sum3A_26 [1] : vector<2048x768xf32> to vector<2048xf32>
    %broadcast_in_dim3A_28 = vector.shape_cast %reduce_sum3A_27 : vector<2048xf32> to vector<2048x1xf32>
    %div3A_29 = arith.constant 7.680000e+02 : f32
    %div3A_30 = vector.broadcast %div3A_29 : f32 to vector<2048x1xf32>
    %div3A_31 = arith.divf %broadcast_in_dim3A_28, %div3A_30 : vector<2048x1xf32>
    %add3A_32 = arith.constant 9.99999974E-6 : f32
    %add3A_33 = vector.broadcast %add3A_32 : f32 to vector<2048x1xf32>
    %add3A_34 = arith.addf %div3A_31, %add3A_33 : vector<2048x1xf32>
    %rsqrt3A = math.rsqrt %add3A_34 : vector<2048x1xf32>
    %mul3A_35 = vector.broadcast %rsqrt3A : vector<2048x1xf32> to vector<2048x768xf32>
    %mul3A_36 = arith.mulf %sub3A_25, %mul3A_35 : vector<2048x768xf32>
    %mul3A_37 = vector.broadcast %get3A_18 : vector<1x768xf32> to vector<2048x768xf32>
    %mul3A_38 = arith.mulf %mul3A_36, %mul3A_37 : vector<2048x768xf32>
    %add3A_39 = vector.broadcast %get3A_21 : vector<1x768xf32> to vector<2048x768xf32>
    %add3A_40 = arith.addf %mul3A_38, %add3A_39 : vector<2048x768xf32>
    %swap3A_41 = arith.constant 0 : index
    %swap3A_42 = arith.constant 0 : index
    %swap3A_43 = vector.load %arg9[%swap3A_41, %swap3A_42] : memref<2048x768xf32, #tpu.memory_space<vmem>>, vector<2048x768xf32>
    tpu.vector_store %arg9[%swap3A_41, %swap3A_42], %add3A_40 {strides = array<i32>} : memref<2048x768xf32, #tpu.memory_space<vmem>>, vector<2048x768xf32>,
    %get3A_44 = arith.constant 0 : index
    %get3A_45 = arith.constant 0 : index
    %get3A_46 = vector.load %arg6[%get3A_44, %get3A_45] : memref<768x14xf32, #tpu.memory_space<vmem>>, vector<768x14xf32>
    %dot_general3A_47 = arith.constant dense<0.000000e+00> : vector<2048x14xf32>
    %dot_general3A_48 = tpu.matmul %add3A_40, %get3A_46, %dot_general3A_47 {dimension_numbers = #tpu.dot_dimension_numbers<[1], [0], [0], [1], [0, 0, 1, 1], [], []>, transpose_lhs_hint = false} : vector<2048x768xf32>, vector<768x14xf32>, vector<2048x14xf32> -> vector<2048x14xf32>
    %get3A_49 = arith.constant 0 : index
    %get3A_50 = arith.constant 0 : index
    %get3A_51 = vector.load %arg7[%get3A_49, %get3A_50] : memref<1x14xf32, #tpu.memory_space<vmem>>, vector<1x14xf32>
    %add3A_52 = vector.broadcast %get3A_51 : vector<1x14xf32> to vector<2048x14xf32>
    %add3A_53 = arith.addf %dot_general3A_48, %add3A_52 : vector<2048x14xf32>
    %reduce_max3A = arith.constant dense<0xFF800000> : vector<2048xf32>
    %reduce_max3A_54 = vector.multi_reduction <maximumf>, %add3A_53, %reduce_max3A [1] : vector<2048x14xf32> to vector<2048xf32>
    %broadcast_in_dim3A_55 = vector.shape_cast %reduce_max3A_54 : vector<2048xf32> to vector<2048x1xf32>
    %sub3A_56 = vector.broadcast %broadcast_in_dim3A_55 : vector<2048x1xf32> to vector<2048x14xf32>
    %sub3A_57 = arith.subf %add3A_53, %sub3A_56 : vector<2048x14xf32>
    %exp3A = math.exp %sub3A_57 : vector<2048x14xf32>
    %reduce_sum3A_58 = arith.constant dense<0.000000e+00> : vector<2048xf32>
    %reduce_sum3A_59 = vector.multi_reduction <add>, %exp3A, %reduce_sum3A_58 [1] : vector<2048x14xf32> to vector<2048xf32>
    %broadcast_in_dim3A_60 = vector.shape_cast %reduce_sum3A_59 : vector<2048xf32> to vector<2048x1xf32>
    %div3A_61 = vector.broadcast %broadcast_in_dim3A_60 : vector<2048x1xf32> to vector<2048x14xf32>
    %div3A_62 = arith.divf %exp3A, %div3A_61 : vector<2048x14xf32>
    %iota3A = tpu.iota {dimensions = array<i32: 1>} : vector<2048x14xi32>
    %reduce_max3A_63 = arith.constant dense<0xFF800000> : vector<2048xf32>
    %reduce_max3A_64 = vector.multi_reduction <maximumf>, %div3A_62, %reduce_max3A_63 [1] : vector<2048x14xf32> to vector<2048xf32>
    %broadcast_in_dim3A_65 = vector.shape_cast %reduce_max3A_64 : vector<2048xf32> to vector<2048x1xf32>
    %eq3A = vector.broadcast %broadcast_in_dim3A_65 : vector<2048x1xf32> to vector<2048x14xf32>
    %eq3A_66 = arith.cmpf oeq, %div3A_62, %eq3A : vector<2048x14xf32>
    %jit3A = arith.constant 14 : i32
    %broadcast_in_dim3A_67 = vector.broadcast %jit3A : i32 to vector<2048x14xi32>
    %select_n3A = arith.select %eq3A_66, %iota3A, %broadcast_in_dim3A_67 : vector<2048x14xi1>, vector<2048x14xi32>
    %reduce_min3A = arith.constant dense<2147483647> : vector<2048xi32>
    %reduce_min3A_68 = vector.multi_reduction <minsi>, %select_n3A, %reduce_min3A [1] : vector<2048x14xi32> to vector<2048xi32>
    %broadcast_in_dim3A_69 = vector.shape_cast %reduce_min3A_68 : vector<2048xi32> to vector<2048x1xi32>
    %eq3A_70 = vector.broadcast %broadcast_in_dim3A_69 : vector<2048x1xi32> to vector<2048x14xi32>
    %eq3A_71 = arith.cmpi eq, %iota3A, %eq3A_70 : vector<2048x14xi32>
    %jit3A_72 = arith.constant -1.000000e+00 : f32
    %broadcast_in_dim3A_73 = vector.broadcast %jit3A_72 : f32 to vector<2048x14xf32>
    %select_n3A_74 = arith.select %eq3A_71, %broadcast_in_dim3A_73, %div3A_62 : vector<2048x14xi1>, vector<2048x14xf32>
    %reduce_max3A_75 = arith.constant dense<0xFF800000> : vector<2048xf32>
    %reduce_max3A_76 = vector.multi_reduction <maximumf>, %select_n3A_74, %reduce_max3A_75 [1] : vector<2048x14xf32> to vector<2048xf32>
    %broadcast_in_dim3A_77 = vector.shape_cast %reduce_max3A_76 : vector<2048xf32> to vector<2048x1xf32>
    %eq3A_78 = vector.broadcast %broadcast_in_dim3A_77 : vector<2048x1xf32> to vector<2048x14xf32>
    %eq3A_79 = arith.cmpf oeq, %select_n3A_74, %eq3A_78 : vector<2048x14xf32>
    %jit3A_80 = arith.constant 14 : i32
    %broadcast_in_dim3A_81 = vector.broadcast %jit3A_80 : i32 to vector<2048x14xi32>
    %select_n3A_82 = arith.select %eq3A_79, %iota3A, %broadcast_in_dim3A_81 : vector<2048x14xi1>, vector<2048x14xi32>
    %reduce_min3A_83 = arith.constant dense<2147483647> : vector<2048xi32>
    %reduce_min3A_84 = vector.multi_reduction <minsi>, %select_n3A_82, %reduce_min3A_83 [1] : vector<2048x14xi32> to vector<2048xi32>
    %broadcast_in_dim3A_85 = vector.shape_cast %reduce_min3A_84 : vector<2048xi32> to vector<2048x1xi32>
    %concatenate3A = tpu.concatenate %broadcast_in_dim3A_65, %broadcast_in_dim3A_77 in 1 : vector<2048x1xf32>, vector<2048x1xf32> -> vector<2048x2xf32>
    %swap3A_86 = arith.constant 0 : index
    %swap3A_87 = arith.constant 0 : index
    %swap3A_88 = vector.load %arg10[%swap3A_86, %swap3A_87] : memref<2048x2xf32, #tpu.memory_space<vmem>>, vector<2048x2xf32>
    tpu.vector_store %arg10[%swap3A_86, %swap3A_87], %concatenate3A {strides = array<i32>} : memref<2048x2xf32, #tpu.memory_space<vmem>>, vector<2048x2xf32>,
    %eq3A_89 = vector.broadcast %broadcast_in_dim3A_69 : vector<2048x1xi32> to vector<2048x14xi32>
    %eq3A_90 = arith.cmpi eq, %iota3A, %eq3A_89 : vector<2048x14xi32>
    %convert_element_type3A = arith.extui %eq3A_90 : vector<2048x14xi1> to vector<2048x14xi32>
    %convert_element_type3A_91 = arith.sitofp %convert_element_type3A : vector<2048x14xi32> to vector<2048x14xf32>
    %eq3A_92 = vector.broadcast %broadcast_in_dim3A_85 : vector<2048x1xi32> to vector<2048x14xi32>
    %eq3A_93 = arith.cmpi eq, %iota3A, %eq3A_92 : vector<2048x14xi32>
    %convert_element_type3A_94 = arith.extui %eq3A_93 : vector<2048x14xi1> to vector<2048x14xi32>
    %convert_element_type3A_95 = arith.sitofp %convert_element_type3A_94 : vector<2048x14xi32> to vector<2048x14xf32>
    %concatenate3A_96 = tpu.concatenate %convert_element_type3A_91, %convert_element_type3A_95 in 0 : vector<2048x14xf32>, vector<2048x14xf32> -> vector<4096x14xf32>
    %iota3A_97 = tpu.iota {dimensions = array<i32: 0>} : vector<512x512xi32>
    %iota3A_98 = tpu.iota {dimensions = array<i32: 1>} : vector<512x512xi32>
    %gt3A = arith.cmpi sgt, %iota3A_97, %iota3A_98 : vector<512x512xi32>
    %convert_element_type3A_99 = arith.extui %gt3A : vector<512x512xi1> to vector<512x512xi32>
    %convert_element_type3A_100 = arith.sitofp %convert_element_type3A_99 : vector<512x512xi32> to vector<512x512xf32>
    %broadcast_in_dim3A_101 = arith.constant 0.000000e+00 : f32
    %broadcast_in_dim3A_102 = vector.broadcast %broadcast_in_dim3A_101 : f32 to vector<1x14xf32>
    %slice3A = vector.extract_strided_slice %concatenate3A_96 {offsets = [0, 0], sizes = [512, 14], strides = [1, 1]} : vector<4096x14xf32> to vector<512x14xf32>
    %dot_general3A_103 = arith.constant dense<0.000000e+00> : vector<512x14xf32>
    %dot_general3A_104 = tpu.matmul %convert_element_type3A_100, %slice3A, %dot_general3A_103 {dimension_numbers = #tpu.dot_dimension_numbers<[1], [0], [0], [1], [0, 0, 1, 1], [], []>, transpose_lhs_hint = false} : vector<512x512xf32>, vector<512x14xf32>, vector<512x14xf32> -> vector<512x14xf32>
    %add3A_105 = vector.broadcast %broadcast_in_dim3A_102 : vector<1x14xf32> to vector<512x14xf32>
    %add3A_106 = arith.addf %dot_general3A_104, %add3A_105 : vector<512x14xf32>
    %reduce_sum3A_107 = arith.constant dense<0.000000e+00> : vector<14xf32>
    %reduce_sum3A_108 = vector.multi_reduction <add>, %slice3A, %reduce_sum3A_107 [0] : vector<512x14xf32> to vector<14xf32>
    %broadcast_in_dim3A_109 = vector.shape_cast %reduce_sum3A_108 : vector<14xf32> to vector<1x14xf32>
    %add3A_110 = arith.addf %broadcast_in_dim3A_102, %broadcast_in_dim3A_109 : vector<1x14xf32>
    %slice3A_111 = vector.extract_strided_slice %concatenate3A_96 {offsets = [512, 0], sizes = [512, 14], strides = [1, 1]} : vector<4096x14xf32> to vector<512x14xf32>
    %dot_general3A_112 = arith.constant dense<0.000000e+00> : vector<512x14xf32>
    %dot_general3A_113 = tpu.matmul %convert_element_type3A_100, %slice3A_111, %dot_general3A_112 {dimension_numbers = #tpu.dot_dimension_numbers<[1], [0], [0], [1], [0, 0, 1, 1], [], []>, transpose_lhs_hint = false} : vector<512x512xf32>, vector<512x14xf32>, vector<512x14xf32> -> vector<512x14xf32>
    %add3A_114 = vector.broadcast %add3A_110 : vector<1x14xf32> to vector<512x14xf32>
    %add3A_115 = arith.addf %dot_general3A_113, %add3A_114 : vector<512x14xf32>
    %reduce_sum3A_116 = arith.constant dense<0.000000e+00> : vector<14xf32>
    %reduce_sum3A_117 = vector.multi_reduction <add>, %slice3A_111, %reduce_sum3A_116 [0] : vector<512x14xf32> to vector<14xf32>
    %broadcast_in_dim3A_118 = vector.shape_cast %reduce_sum3A_117 : vector<14xf32> to vector<1x14xf32>
    %add3A_119 = arith.addf %add3A_110, %broadcast_in_dim3A_118 : vector<1x14xf32>
    %slice3A_120 = vector.extract_strided_slice %concatenate3A_96 {offsets = [1024, 0], sizes = [512, 14], strides = [1, 1]} : vector<4096x14xf32> to vector<512x14xf32>
    %dot_general3A_121 = arith.constant dense<0.000000e+00> : vector<512x14xf32>
    %dot_general3A_122 = tpu.matmul %convert_element_type3A_100, %slice3A_120, %dot_general3A_121 {dimension_numbers = #tpu.dot_dimension_numbers<[1], [0], [0], [1], [0, 0, 1, 1], [], []>, transpose_lhs_hint = false} : vector<512x512xf32>, vector<512x14xf32>, vector<512x14xf32> -> vector<512x14xf32>
    %add3A_123 = vector.broadcast %add3A_119 : vector<1x14xf32> to vector<512x14xf32>
    %add3A_124 = arith.addf %dot_general3A_122, %add3A_123 : vector<512x14xf32>
    %reduce_sum3A_125 = arith.constant dense<0.000000e+00> : vector<14xf32>
    %reduce_sum3A_126 = vector.multi_reduction <add>, %slice3A_120, %reduce_sum3A_125 [0] : vector<512x14xf32> to vector<14xf32>
    %broadcast_in_dim3A_127 = vector.shape_cast %reduce_sum3A_126 : vector<14xf32> to vector<1x14xf32>
    %add3A_128 = arith.addf %add3A_119, %broadcast_in_dim3A_127 : vector<1x14xf32>
    %slice3A_129 = vector.extract_strided_slice %concatenate3A_96 {offsets = [1536, 0], sizes = [512, 14], strides = [1, 1]} : vector<4096x14xf32> to vector<512x14xf32>
    %dot_general3A_130 = arith.constant dense<0.000000e+00> : vector<512x14xf32>
    %dot_general3A_131 = tpu.matmul %convert_element_type3A_100, %slice3A_129, %dot_general3A_130 {dimension_numbers = #tpu.dot_dimension_numbers<[1], [0], [0], [1], [0, 0, 1, 1], [], []>, transpose_lhs_hint = false} : vector<512x512xf32>, vector<512x14xf32>, vector<512x14xf32> -> vector<512x14xf32>
    %add3A_132 = vector.broadcast %add3A_128 : vector<1x14xf32> to vector<512x14xf32>
    %add3A_133 = arith.addf %dot_general3A_131, %add3A_132 : vector<512x14xf32>
    %reduce_sum3A_134 = arith.constant dense<0.000000e+00> : vector<14xf32>
    %reduce_sum3A_135 = vector.multi_reduction <add>, %slice3A_129, %reduce_sum3A_134 [0] : vector<512x14xf32> to vector<14xf32>
    %broadcast_in_dim3A_136 = vector.shape_cast %reduce_sum3A_135 : vector<14xf32> to vector<1x14xf32>
    %add3A_137 = arith.addf %add3A_128, %broadcast_in_dim3A_136 : vector<1x14xf32>
    %slice3A_138 = vector.extract_strided_slice %concatenate3A_96 {offsets = [2048, 0], sizes = [512, 14], strides = [1, 1]} : vector<4096x14xf32> to vector<512x14xf32>
    %dot_general3A_139 = arith.constant dense<0.000000e+00> : vector<512x14xf32>
    %dot_general3A_140 = tpu.matmul %convert_element_type3A_100, %slice3A_138, %dot_general3A_139 {dimension_numbers = #tpu.dot_dimension_numbers<[1], [0], [0], [1], [0, 0, 1, 1], [], []>, transpose_lhs_hint = false} : vector<512x512xf32>, vector<512x14xf32>, vector<512x14xf32> -> vector<512x14xf32>
    %add3A_141 = vector.broadcast %add3A_137 : vector<1x14xf32> to vector<512x14xf32>
    %add3A_142 = arith.addf %dot_general3A_140, %add3A_141 : vector<512x14xf32>
    %reduce_sum3A_143 = arith.constant dense<0.000000e+00> : vector<14xf32>
    %reduce_sum3A_144 = vector.multi_reduction <add>, %slice3A_138, %reduce_sum3A_143 [0] : vector<512x14xf32> to vector<14xf32>
    %broadcast_in_dim3A_145 = vector.shape_cast %reduce_sum3A_144 : vector<14xf32> to vector<1x14xf32>
    %add3A_146 = arith.addf %add3A_137, %broadcast_in_dim3A_145 : vector<1x14xf32>
    %slice3A_147 = vector.extract_strided_slice %concatenate3A_96 {offsets = [2560, 0], sizes = [512, 14], strides = [1, 1]} : vector<4096x14xf32> to vector<512x14xf32>
    %dot_general3A_148 = arith.constant dense<0.000000e+00> : vector<512x14xf32>
    %dot_general3A_149 = tpu.matmul %convert_element_type3A_100, %slice3A_147, %dot_general3A_148 {dimension_numbers = #tpu.dot_dimension_numbers<[1], [0], [0], [1], [0, 0, 1, 1], [], []>, transpose_lhs_hint = false} : vector<512x512xf32>, vector<512x14xf32>, vector<512x14xf32> -> vector<512x14xf32>
    %add3A_150 = vector.broadcast %add3A_146 : vector<1x14xf32> to vector<512x14xf32>
    %add3A_151 = arith.addf %dot_general3A_149, %add3A_150 : vector<512x14xf32>
    %reduce_sum3A_152 = arith.constant dense<0.000000e+00> : vector<14xf32>
    %reduce_sum3A_153 = vector.multi_reduction <add>, %slice3A_147, %reduce_sum3A_152 [0] : vector<512x14xf32> to vector<14xf32>
    %broadcast_in_dim3A_154 = vector.shape_cast %reduce_sum3A_153 : vector<14xf32> to vector<1x14xf32>
    %add3A_155 = arith.addf %add3A_146, %broadcast_in_dim3A_154 : vector<1x14xf32>
    %slice3A_156 = vector.extract_strided_slice %concatenate3A_96 {offsets = [3072, 0], sizes = [512, 14], strides = [1, 1]} : vector<4096x14xf32> to vector<512x14xf32>
    %dot_general3A_157 = arith.constant dense<0.000000e+00> : vector<512x14xf32>
    %dot_general3A_158 = tpu.matmul %convert_element_type3A_100, %slice3A_156, %dot_general3A_157 {dimension_numbers = #tpu.dot_dimension_numbers<[1], [0], [0], [1], [0, 0, 1, 1], [], []>, transpose_lhs_hint = false} : vector<512x512xf32>, vector<512x14xf32>, vector<512x14xf32> -> vector<512x14xf32>
    %add3A_159 = vector.broadcast %add3A_155 : vector<1x14xf32> to vector<512x14xf32>
    %add3A_160 = arith.addf %dot_general3A_158, %add3A_159 : vector<512x14xf32>
    %reduce_sum3A_161 = arith.constant dense<0.000000e+00> : vector<14xf32>
    %reduce_sum3A_162 = vector.multi_reduction <add>, %slice3A_156, %reduce_sum3A_161 [0] : vector<512x14xf32> to vector<14xf32>
    %broadcast_in_dim3A_163 = vector.shape_cast %reduce_sum3A_162 : vector<14xf32> to vector<1x14xf32>
    %add3A_164 = arith.addf %add3A_155, %broadcast_in_dim3A_163 : vector<1x14xf32>
    %slice3A_165 = vector.extract_strided_slice %concatenate3A_96 {offsets = [3584, 0], sizes = [512, 14], strides = [1, 1]} : vector<4096x14xf32> to vector<512x14xf32>
    %dot_general3A_166 = arith.constant dense<0.000000e+00> : vector<512x14xf32>
    %dot_general3A_167 = tpu.matmul %convert_element_type3A_100, %slice3A_165, %dot_general3A_166 {dimension_numbers = #tpu.dot_dimension_numbers<[1], [0], [0], [1], [0, 0, 1, 1], [], []>, transpose_lhs_hint = false} : vector<512x512xf32>, vector<512x14xf32>, vector<512x14xf32> -> vector<512x14xf32>
    %add3A_168 = vector.broadcast %add3A_164 : vector<1x14xf32> to vector<512x14xf32>
    %add3A_169 = arith.addf %dot_general3A_167, %add3A_168 : vector<512x14xf32>
    %reduce_sum3A_170 = arith.constant dense<0.000000e+00> : vector<14xf32>
    %reduce_sum3A_171 = vector.multi_reduction <add>, %slice3A_165, %reduce_sum3A_170 [0] : vector<512x14xf32> to vector<14xf32>
    %broadcast_in_dim3A_172 = vector.shape_cast %reduce_sum3A_171 : vector<14xf32> to vector<1x14xf32>
    %add3A_173 = arith.addf %add3A_164, %broadcast_in_dim3A_172 : vector<1x14xf32>
    %mul3A_174 = arith.constant 7.812500e-03 : f32
    %mul3A_175 = vector.broadcast %mul3A_174 : f32 to vector<1x14xf32>
    %mul3A_176 = arith.mulf %add3A_173, %mul3A_175 : vector<1x14xf32>
    %ceil3A = math.ceil %mul3A_176 : vector<1x14xf32>
    %mul3A_177 = arith.constant 1.280000e+02 : f32
    %mul3A_178 = vector.broadcast %mul3A_177 : f32 to vector<1x14xf32>
    %mul3A_179 = arith.mulf %ceil3A, %mul3A_178 : vector<1x14xf32>
    %iota3A_180 = tpu.iota {dimensions = array<i32: 0>} : vector<14x14xi32>
    %iota3A_181 = tpu.iota {dimensions = array<i32: 1>} : vector<14x14xi32>
    %lt3A = arith.cmpi slt, %iota3A_180, %iota3A_181 : vector<14x14xi32>
    %convert_element_type3A_182 = arith.extui %lt3A : vector<14x14xi1> to vector<14x14xi32>
    %convert_element_type3A_183 = arith.sitofp %convert_element_type3A_182 : vector<14x14xi32> to vector<14x14xf32>
    %dot_general3A_184 = arith.constant dense<0.000000e+00> : vector<1x14xf32>
    %dot_general3A_185 = tpu.matmul %mul3A_179, %convert_element_type3A_183, %dot_general3A_184 {dimension_numbers = #tpu.dot_dimension_numbers<[1], [0], [0], [1], [0, 0, 1, 1], [], []>, transpose_lhs_hint = false} : vector<1x14xf32>, vector<14x14xf32>, vector<1x14xf32> -> vector<1x14xf32>
    %slice3A_186 = vector.extract_strided_slice %concatenate3A_96 {offsets = [0, 0], sizes = [512, 14], strides = [1, 1]} : vector<4096x14xf32> to vector<512x14xf32>
    %add3A_187 = vector.broadcast %dot_general3A_185 : vector<1x14xf32> to vector<512x14xf32>
    %add3A_188 = arith.addf %add3A_106, %add3A_187 : vector<512x14xf32>
    %mul3A_189 = arith.mulf %add3A_188, %slice3A_186 : vector<512x14xf32>
    %reduce_sum3A_190 = arith.constant dense<0.000000e+00> : vector<512xf32>
    %reduce_sum3A_191 = vector.multi_reduction <add>, %mul3A_189, %reduce_sum3A_190 [1] : vector<512x14xf32> to vector<512xf32>
    %convert_element_type3A_192 = arith.fptosi %reduce_sum3A_191 : vector<512xf32> to vector<512xi32>
    %swap3A_193 = arith.constant 0 : index
    %swap3A_194 = vector.load %arg11[%swap3A_193] : memref<4096xi32, #tpu.memory_space<vmem>>, vector<512xi32>
    tpu.vector_store %arg11[%swap3A_193], %convert_element_type3A_192 {strides = array<i32>} : memref<4096xi32, #tpu.memory_space<vmem>>, vector<512xi32>,
    %slice3A_195 = vector.extract_strided_slice %concatenate3A_96 {offsets = [512, 0], sizes = [512, 14], strides = [1, 1]} : vector<4096x14xf32> to vector<512x14xf32>
    %add3A_196 = vector.broadcast %dot_general3A_185 : vector<1x14xf32> to vector<512x14xf32>
    %add3A_197 = arith.addf %add3A_115, %add3A_196 : vector<512x14xf32>
    %mul3A_198 = arith.mulf %add3A_197, %slice3A_195 : vector<512x14xf32>
    %reduce_sum3A_199 = arith.constant dense<0.000000e+00> : vector<512xf32>
    %reduce_sum3A_200 = vector.multi_reduction <add>, %mul3A_198, %reduce_sum3A_199 [1] : vector<512x14xf32> to vector<512xf32>
    %convert_element_type3A_201 = arith.fptosi %reduce_sum3A_200 : vector<512xf32> to vector<512xi32>
    %swap3A_202 = arith.constant 512 : index
    %swap3A_203 = vector.load %arg11[%swap3A_202] : memref<4096xi32, #tpu.memory_space<vmem>>, vector<512xi32>
    tpu.vector_store %arg11[%swap3A_202], %convert_element_type3A_201 {strides = array<i32>} : memref<4096xi32, #tpu.memory_space<vmem>>, vector<512xi32>,
    %slice3A_204 = vector.extract_strided_slice %concatenate3A_96 {offsets = [1024, 0], sizes = [512, 14], strides = [1, 1]} : vector<4096x14xf32> to vector<512x14xf32>
    %add3A_205 = vector.broadcast %dot_general3A_185 : vector<1x14xf32> to vector<512x14xf32>
    %add3A_206 = arith.addf %add3A_124, %add3A_205 : vector<512x14xf32>
    %mul3A_207 = arith.mulf %add3A_206, %slice3A_204 : vector<512x14xf32>
    %reduce_sum3A_208 = arith.constant dense<0.000000e+00> : vector<512xf32>
    %reduce_sum3A_209 = vector.multi_reduction <add>, %mul3A_207, %reduce_sum3A_208 [1] : vector<512x14xf32> to vector<512xf32>
    %convert_element_type3A_210 = arith.fptosi %reduce_sum3A_209 : vector<512xf32> to vector<512xi32>
    %swap3A_211 = arith.constant 1024 : index
    %swap3A_212 = vector.load %arg11[%swap3A_211] : memref<4096xi32, #tpu.memory_space<vmem>>, vector<512xi32>
    tpu.vector_store %arg11[%swap3A_211], %convert_element_type3A_210 {strides = array<i32>} : memref<4096xi32, #tpu.memory_space<vmem>>, vector<512xi32>,
    %slice3A_213 = vector.extract_strided_slice %concatenate3A_96 {offsets = [1536, 0], sizes = [512, 14], strides = [1, 1]} : vector<4096x14xf32> to vector<512x14xf32>
    %add3A_214 = vector.broadcast %dot_general3A_185 : vector<1x14xf32> to vector<512x14xf32>
    %add3A_215 = arith.addf %add3A_133, %add3A_214 : vector<512x14xf32>
    %mul3A_216 = arith.mulf %add3A_215, %slice3A_213 : vector<512x14xf32>
    %reduce_sum3A_217 = arith.constant dense<0.000000e+00> : vector<512xf32>
    %reduce_sum3A_218 = vector.multi_reduction <add>, %mul3A_216, %reduce_sum3A_217 [1] : vector<512x14xf32> to vector<512xf32>
    %convert_element_type3A_219 = arith.fptosi %reduce_sum3A_218 : vector<512xf32> to vector<512xi32>
    %swap3A_220 = arith.constant 1536 : index
    %swap3A_221 = vector.load %arg11[%swap3A_220] : memref<4096xi32, #tpu.memory_space<vmem>>, vector<512xi32>
    tpu.vector_store %arg11[%swap3A_220], %convert_element_type3A_219 {strides = array<i32>} : memref<4096xi32, #tpu.memory_space<vmem>>, vector<512xi32>,
    %slice3A_222 = vector.extract_strided_slice %concatenate3A_96 {offsets = [2048, 0], sizes = [512, 14], strides = [1, 1]} : vector<4096x14xf32> to vector<512x14xf32>
    %add3A_223 = vector.broadcast %dot_general3A_185 : vector<1x14xf32> to vector<512x14xf32>
    %add3A_224 = arith.addf %add3A_142, %add3A_223 : vector<512x14xf32>
    %mul3A_225 = arith.mulf %add3A_224, %slice3A_222 : vector<512x14xf32>
    %reduce_sum3A_226 = arith.constant dense<0.000000e+00> : vector<512xf32>
    %reduce_sum3A_227 = vector.multi_reduction <add>, %mul3A_225, %reduce_sum3A_226 [1] : vector<512x14xf32> to vector<512xf32>
    %convert_element_type3A_228 = arith.fptosi %reduce_sum3A_227 : vector<512xf32> to vector<512xi32>
    %swap3A_229 = arith.constant 2048 : index
    %swap3A_230 = vector.load %arg11[%swap3A_229] : memref<4096xi32, #tpu.memory_space<vmem>>, vector<512xi32>
    tpu.vector_store %arg11[%swap3A_229], %convert_element_type3A_228 {strides = array<i32>} : memref<4096xi32, #tpu.memory_space<vmem>>, vector<512xi32>,
    %slice3A_231 = vector.extract_strided_slice %concatenate3A_96 {offsets = [2560, 0], sizes = [512, 14], strides = [1, 1]} : vector<4096x14xf32> to vector<512x14xf32>
    %add3A_232 = vector.broadcast %dot_general3A_185 : vector<1x14xf32> to vector<512x14xf32>
    %add3A_233 = arith.addf %add3A_151, %add3A_232 : vector<512x14xf32>
    %mul3A_234 = arith.mulf %add3A_233, %slice3A_231 : vector<512x14xf32>
    %reduce_sum3A_235 = arith.constant dense<0.000000e+00> : vector<512xf32>
    %reduce_sum3A_236 = vector.multi_reduction <add>, %mul3A_234, %reduce_sum3A_235 [1] : vector<512x14xf32> to vector<512xf32>
    %convert_element_type3A_237 = arith.fptosi %reduce_sum3A_236 : vector<512xf32> to vector<512xi32>
    %swap3A_238 = arith.constant 2560 : index
    %swap3A_239 = vector.load %arg11[%swap3A_238] : memref<4096xi32, #tpu.memory_space<vmem>>, vector<512xi32>
    tpu.vector_store %arg11[%swap3A_238], %convert_element_type3A_237 {strides = array<i32>} : memref<4096xi32, #tpu.memory_space<vmem>>, vector<512xi32>,
    %slice3A_240 = vector.extract_strided_slice %concatenate3A_96 {offsets = [3072, 0], sizes = [512, 14], strides = [1, 1]} : vector<4096x14xf32> to vector<512x14xf32>
    %add3A_241 = vector.broadcast %dot_general3A_185 : vector<1x14xf32> to vector<512x14xf32>
    %add3A_242 = arith.addf %add3A_160, %add3A_241 : vector<512x14xf32>
    %mul3A_243 = arith.mulf %add3A_242, %slice3A_240 : vector<512x14xf32>
    %reduce_sum3A_244 = arith.constant dense<0.000000e+00> : vector<512xf32>
    %reduce_sum3A_245 = vector.multi_reduction <add>, %mul3A_243, %reduce_sum3A_244 [1] : vector<512x14xf32> to vector<512xf32>
    %convert_element_type3A_246 = arith.fptosi %reduce_sum3A_245 : vector<512xf32> to vector<512xi32>
    %swap3A_247 = arith.constant 3072 : index
    %swap3A_248 = vector.load %arg11[%swap3A_247] : memref<4096xi32, #tpu.memory_space<vmem>>, vector<512xi32>
    tpu.vector_store %arg11[%swap3A_247], %convert_element_type3A_246 {strides = array<i32>} : memref<4096xi32, #tpu.memory_space<vmem>>, vector<512xi32>,
    %slice3A_249 = vector.extract_strided_slice %concatenate3A_96 {offsets = [3584, 0], sizes = [512, 14], strides = [1, 1]} : vector<4096x14xf32> to vector<512x14xf32>
    %add3A_250 = vector.broadcast %dot_general3A_185 : vector<1x14xf32> to vector<512x14xf32>
    %add3A_251 = arith.addf %add3A_169, %add3A_250 : vector<512x14xf32>
    %mul3A_252 = arith.mulf %add3A_251, %slice3A_249 : vector<512x14xf32>
    %reduce_sum3A_253 = arith.constant dense<0.000000e+00> : vector<512xf32>
    %reduce_sum3A_254 = vector.multi_reduction <add>, %mul3A_252, %reduce_sum3A_253 [1] : vector<512x14xf32> to vector<512xf32>
    %convert_element_type3A_255 = arith.fptosi %reduce_sum3A_254 : vector<512xf32> to vector<512xi32>
    %swap3A_256 = arith.constant 3584 : index
    %swap3A_257 = vector.load %arg11[%swap3A_256] : memref<4096xi32, #tpu.memory_space<vmem>>, vector<512xi32>
    tpu.vector_store %arg11[%swap3A_256], %convert_element_type3A_255 {strides = array<i32>} : memref<4096xi32, #tpu.memory_space<vmem>>, vector<512xi32>,
    %add3A_258 = arith.addf %dot_general3A_185, %mul3A_179 : vector<1x14xf32>
    %iota3A_259 = tpu.iota {dimensions = array<i32: 0>} : vector<64x14xi32>
    %convert_element_type3A_260 = arith.sitofp %iota3A_259 : vector<64x14xi32> to vector<64x14xf32>
    %mul3A_261 = arith.constant 1.280000e+02 : f32
    %mul3A_262 = vector.broadcast %mul3A_261 : f32 to vector<64x14xf32>
    %mul3A_263 = arith.mulf %convert_element_type3A_260, %mul3A_262 : vector<64x14xf32>
    %ge3A = vector.broadcast %add3A_258 : vector<1x14xf32> to vector<64x14xf32>
    %ge3A_264 = arith.cmpf oge, %mul3A_263, %ge3A : vector<64x14xf32>
    %convert_element_type3A_265 = arith.extui %ge3A_264 : vector<64x14xi1> to vector<64x14xi32>
    %convert_element_type3A_266 = arith.sitofp %convert_element_type3A_265 : vector<64x14xi32> to vector<64x14xf32>
    %reduce_sum3A_267 = arith.constant dense<0.000000e+00> : vector<64xf32>
    %reduce_sum3A_268 = vector.multi_reduction <add>, %convert_element_type3A_266, %reduce_sum3A_267 [1] : vector<64x14xf32> to vector<64xf32>
    %min3A = arith.constant 1.300000e+01 : f32
    %min3A_269 = vector.broadcast %min3A : f32 to vector<64xf32>
    %min3A_270 = arith.minimumf %reduce_sum3A_268, %min3A_269 : vector<64xf32>
    %convert_element_type3A_271 = arith.fptosi %min3A_270 : vector<64xf32> to vector<64xi32>
    %swap3A_272 = arith.constant 0 : index
    %swap3A_273 = vector.load %arg12[%swap3A_272] : memref<64xi32, #tpu.memory_space<vmem>>, vector<64xi32>
    tpu.vector_store %arg12[%swap3A_272], %convert_element_type3A_271 {strides = array<i32>} : memref<64xi32, #tpu.memory_space<vmem>>, vector<64xi32>,
    return
  }
}

module attributes {stable_mosaic.version = 14 : i64} {
  func.func @_final_body(%arg0: i32, %arg1: memref<512x768xf32, #tpu.memory_space<vmem>>, %arg2: memref<2x768x768xf32, #tpu.memory_space<vmem>>, %arg3: memref<2x768xf32, #tpu.memory_space<vmem>>, %arg4: memref<2x768x768xf32, #tpu.memory_space<vmem>>, %arg5: memref<2x768xf32, #tpu.memory_space<vmem>>, %arg6: memref<512x768xf32, #tpu.memory_space<vmem>>, %arg7: memref<512x768xf32, #tpu.memory_space<vmem>>, %arg8: memref<512x768xf32, #tpu.memory_space<vmem>>, %arg9: memref<512x2xf32, #tpu.memory_space<vmem>>, %arg10: memref<512x768xf32, #tpu.memory_space<vmem>>) attributes {dimension_semantics = [#tpu.dimension_semantics<arbitrary>], iteration_bounds = array<i64: 4>, scalar_prefetch = 0 : i64, scratch_operands = 0 : i64, tpu.core_type = #tpu.core_type<tc>, window_params = [{transform_indices = @transform_0, window_bounds = array<i64: 512, 768>}, {pipeline_mode = #tpu.pipeline_mode<synchronous>, transform_indices = @transform_1, window_bounds = array<i64: 2, 768, 768>}, {pipeline_mode = #tpu.pipeline_mode<synchronous>, transform_indices = @transform_2, window_bounds = array<i64: 2, 768>}, {pipeline_mode = #tpu.pipeline_mode<synchronous>, transform_indices = @transform_3, window_bounds = array<i64: 2, 768, 768>}, {pipeline_mode = #tpu.pipeline_mode<synchronous>, transform_indices = @transform_4, window_bounds = array<i64: 2, 768>}, {transform_indices = @transform_5, window_bounds = array<i64: 512, 768>}, {transform_indices = @transform_6, window_bounds = array<i64: 512, 768>}, {transform_indices = @transform_7, window_bounds = array<i64: 512, 768>}, {transform_indices = @transform_8, window_bounds = array<i64: 512, 2>}, {transform_indices = @transform_9, window_bounds = array<i64: 512, 768>}]} {
    %get3A = arith.constant 0 : index
    %get3A_0 = arith.constant 0 : index
    %get3A_1 = vector.load %arg1[%get3A, %get3A_0] : memref<512x768xf32, #tpu.memory_space<vmem>>, vector<512x768xf32>
    %get3A_2 = arith.constant 0 : index
    %get3A_3 = arith.constant 0 : index
    %get3A_4 = vector.load %arg6[%get3A_2, %get3A_3] : memref<512x768xf32, #tpu.memory_space<vmem>>, vector<512x768xf32>
    %add3A = arith.addf %get3A_4, %get3A_1 : vector<512x768xf32>
    %get3A_5 = arith.constant 0 : index
    %get3A_6 = arith.constant 0 : index
    %get3A_7 = vector.load %arg9[%get3A_5, %get3A_6] : memref<512x2xf32, #tpu.memory_space<vmem>>, vector<512x1xf32>
    %get3A_8 = arith.constant 0 : index
    %get3A_9 = arith.constant 0 : index
    %get3A_10 = vector.load %arg7[%get3A_8, %get3A_9] : memref<512x768xf32, #tpu.memory_space<vmem>>, vector<512x768xf32>
    %mul3A = vector.broadcast %get3A_7 : vector<512x1xf32> to vector<512x768xf32>
    %mul3A_11 = arith.mulf %mul3A, %get3A_10 : vector<512x768xf32>
    %add3A_12 = arith.addf %add3A, %mul3A_11 : vector<512x768xf32>
    %get3A_13 = arith.constant 0 : index
    %get3A_14 = arith.constant 1 : index
    %get3A_15 = vector.load %arg9[%get3A_13, %get3A_14] : memref<512x2xf32, #tpu.memory_space<vmem>>, vector<512x1xf32>
    %get3A_16 = arith.constant 0 : index
    %get3A_17 = arith.constant 0 : index
    %get3A_18 = vector.load %arg8[%get3A_16, %get3A_17] : memref<512x768xf32, #tpu.memory_space<vmem>>, vector<512x768xf32>
    %mul3A_19 = vector.broadcast %get3A_15 : vector<512x1xf32> to vector<512x768xf32>
    %mul3A_20 = arith.mulf %mul3A_19, %get3A_18 : vector<512x768xf32>
    %add3A_21 = arith.addf %add3A_12, %mul3A_20 : vector<512x768xf32>
    %get3A_22 = arith.constant 0 : index
    %get3A_23 = arith.constant 0 : index
    %get3A_24 = arith.constant 0 : index
    %get3A_25 = vector.load %arg2[%get3A_22, %get3A_23, %get3A_24] : memref<2x768x768xf32, #tpu.memory_space<vmem>>, vector<1x768x768xf32>
    %get3A_26 = vector.shape_cast %get3A_25 : vector<1x768x768xf32> to vector<768x768xf32>
    %dot_general3A = arith.constant dense<0.000000e+00> : vector<512x768xf32>
    %dot_general3A_27 = tpu.matmul %get3A_1, %get3A_26, %dot_general3A {dimension_numbers = #tpu.dot_dimension_numbers<[1], [0], [0], [1], [0, 0, 1, 1], [], []>, transpose_lhs_hint = false} : vector<512x768xf32>, vector<768x768xf32>, vector<512x768xf32> -> vector<512x768xf32>
    %get3A_28 = arith.constant 0 : index
    %get3A_29 = arith.constant 0 : index
    %get3A_30 = vector.load %arg3[%get3A_28, %get3A_29] : memref<2x768xf32, #tpu.memory_space<vmem>>, vector<1x768xf32>
    %add3A_31 = vector.broadcast %get3A_30 : vector<1x768xf32> to vector<512x768xf32>
    %add3A_32 = arith.addf %dot_general3A_27, %add3A_31 : vector<512x768xf32>
    %mul3A_33 = arith.constant 5.000000e-01 : f32
    %mul3A_34 = vector.broadcast %mul3A_33 : f32 to vector<512x768xf32>
    %mul3A_35 = arith.mulf %mul3A_34, %add3A_32 : vector<512x768xf32>
    %mul3A_36 = arith.constant 0.707106769 : f32
    %mul3A_37 = vector.broadcast %mul3A_36 : f32 to vector<512x768xf32>
    %mul3A_38 = arith.mulf %add3A_32, %mul3A_37 : vector<512x768xf32>
    %erf3A = math.erf %mul3A_38 : vector<512x768xf32>
    %add3A_39 = arith.constant 1.000000e+00 : f32
    %add3A_40 = vector.broadcast %add3A_39 : f32 to vector<512x768xf32>
    %add3A_41 = arith.addf %add3A_40, %erf3A : vector<512x768xf32>
    %mul3A_42 = arith.mulf %mul3A_35, %add3A_41 : vector<512x768xf32>
    %get3A_43 = arith.constant 0 : index
    %get3A_44 = arith.constant 0 : index
    %get3A_45 = arith.constant 0 : index
    %get3A_46 = vector.load %arg4[%get3A_43, %get3A_44, %get3A_45] : memref<2x768x768xf32, #tpu.memory_space<vmem>>, vector<1x768x768xf32>
    %get3A_47 = vector.shape_cast %get3A_46 : vector<1x768x768xf32> to vector<768x768xf32>
    %dot_general3A_48 = arith.constant dense<0.000000e+00> : vector<512x768xf32>
    %dot_general3A_49 = tpu.matmul %mul3A_42, %get3A_47, %dot_general3A_48 {dimension_numbers = #tpu.dot_dimension_numbers<[1], [0], [0], [1], [0, 0, 1, 1], [], []>, transpose_lhs_hint = false} : vector<512x768xf32>, vector<768x768xf32>, vector<512x768xf32> -> vector<512x768xf32>
    %get3A_50 = arith.constant 0 : index
    %get3A_51 = arith.constant 0 : index
    %get3A_52 = vector.load %arg5[%get3A_50, %get3A_51] : memref<2x768xf32, #tpu.memory_space<vmem>>, vector<1x768xf32>
    %add3A_53 = vector.broadcast %get3A_52 : vector<1x768xf32> to vector<512x768xf32>
    %add3A_54 = arith.addf %dot_general3A_49, %add3A_53 : vector<512x768xf32>
    %add3A_55 = arith.addf %add3A_21, %add3A_54 : vector<512x768xf32>
    %get3A_56 = arith.constant 1 : index
    %get3A_57 = arith.constant 0 : index
    %get3A_58 = arith.constant 0 : index
    %get3A_59 = vector.load %arg2[%get3A_56, %get3A_57, %get3A_58] : memref<2x768x768xf32, #tpu.memory_space<vmem>>, vector<1x768x768xf32>
    %get3A_60 = vector.shape_cast %get3A_59 : vector<1x768x768xf32> to vector<768x768xf32>
    %dot_general3A_61 = arith.constant dense<0.000000e+00> : vector<512x768xf32>
    %dot_general3A_62 = tpu.matmul %get3A_1, %get3A_60, %dot_general3A_61 {dimension_numbers = #tpu.dot_dimension_numbers<[1], [0], [0], [1], [0, 0, 1, 1], [], []>, transpose_lhs_hint = false} : vector<512x768xf32>, vector<768x768xf32>, vector<512x768xf32> -> vector<512x768xf32>
    %get3A_63 = arith.constant 1 : index
    %get3A_64 = arith.constant 0 : index
    %get3A_65 = vector.load %arg3[%get3A_63, %get3A_64] : memref<2x768xf32, #tpu.memory_space<vmem>>, vector<1x768xf32>
    %add3A_66 = vector.broadcast %get3A_65 : vector<1x768xf32> to vector<512x768xf32>
    %add3A_67 = arith.addf %dot_general3A_62, %add3A_66 : vector<512x768xf32>
    %mul3A_68 = arith.constant 5.000000e-01 : f32
    %mul3A_69 = vector.broadcast %mul3A_68 : f32 to vector<512x768xf32>
    %mul3A_70 = arith.mulf %mul3A_69, %add3A_67 : vector<512x768xf32>
    %mul3A_71 = arith.constant 0.707106769 : f32
    %mul3A_72 = vector.broadcast %mul3A_71 : f32 to vector<512x768xf32>
    %mul3A_73 = arith.mulf %add3A_67, %mul3A_72 : vector<512x768xf32>
    %erf3A_74 = math.erf %mul3A_73 : vector<512x768xf32>
    %add3A_75 = arith.constant 1.000000e+00 : f32
    %add3A_76 = vector.broadcast %add3A_75 : f32 to vector<512x768xf32>
    %add3A_77 = arith.addf %add3A_76, %erf3A_74 : vector<512x768xf32>
    %mul3A_78 = arith.mulf %mul3A_70, %add3A_77 : vector<512x768xf32>
    %get3A_79 = arith.constant 1 : index
    %get3A_80 = arith.constant 0 : index
    %get3A_81 = arith.constant 0 : index
    %get3A_82 = vector.load %arg4[%get3A_79, %get3A_80, %get3A_81] : memref<2x768x768xf32, #tpu.memory_space<vmem>>, vector<1x768x768xf32>
    %get3A_83 = vector.shape_cast %get3A_82 : vector<1x768x768xf32> to vector<768x768xf32>
    %dot_general3A_84 = arith.constant dense<0.000000e+00> : vector<512x768xf32>
    %dot_general3A_85 = tpu.matmul %mul3A_78, %get3A_83, %dot_general3A_84 {dimension_numbers = #tpu.dot_dimension_numbers<[1], [0], [0], [1], [0, 0, 1, 1], [], []>, transpose_lhs_hint = false} : vector<512x768xf32>, vector<768x768xf32>, vector<512x768xf32> -> vector<512x768xf32>
    %get3A_86 = arith.constant 1 : index
    %get3A_87 = arith.constant 0 : index
    %get3A_88 = vector.load %arg5[%get3A_86, %get3A_87] : memref<2x768xf32, #tpu.memory_space<vmem>>, vector<1x768xf32>
    %add3A_89 = vector.broadcast %get3A_88 : vector<1x768xf32> to vector<512x768xf32>
    %add3A_90 = arith.addf %dot_general3A_85, %add3A_89 : vector<512x768xf32>
    %add3A_91 = arith.addf %add3A_55, %add3A_90 : vector<512x768xf32>
    %swap3A = arith.constant 0 : index
    %swap3A_92 = arith.constant 0 : index
    %swap3A_93 = vector.load %arg10[%swap3A, %swap3A_92] : memref<512x768xf32, #tpu.memory_space<vmem>>, vector<512x768xf32>
    tpu.vector_store %arg10[%swap3A, %swap3A_92], %add3A_91 {strides = array<i32>} : memref<512x768xf32, #tpu.memory_space<vmem>>, vector<512x768xf32>,
    return
  }
  func.func @transform_0(%arg0: i32) -> (i32, i32) {
    %c0_i32 = arith.constant 0 : i32
    %c0_i32_0 = arith.constant 0 : i32
    return %arg0, %c0_i32 : i32, i32
  }
  func.func @transform_1(%arg0: i32) -> (i32, i32, i32) {
    %c0_i32 = arith.constant 0 : i32
    %c0_i32_0 = arith.constant 0 : i32
    %c0_i32_1 = arith.constant 0 : i32
    %c0_i32_2 = arith.constant 0 : i32
    return %c0_i32, %c0_i32_0, %c0_i32_1 : i32, i32, i32
  }
  func.func @transform_2(%arg0: i32) -> (i32, i32) {
    %c0_i32 = arith.constant 0 : i32
    %c0_i32_0 = arith.constant 0 : i32
    %c0_i32_1 = arith.constant 0 : i32
    return %c0_i32, %c0_i32_0 : i32, i32
  }
  func.func @transform_3(%arg0: i32) -> (i32, i32, i32) {
    %c0_i32 = arith.constant 0 : i32
    %c0_i32_0 = arith.constant 0 : i32
    %c0_i32_1 = arith.constant 0 : i32
    %c0_i32_2 = arith.constant 0 : i32
    return %c0_i32, %c0_i32_0, %c0_i32_1 : i32, i32, i32
  }
  func.func @transform_4(%arg0: i32) -> (i32, i32) {
    %c0_i32 = arith.constant 0 : i32
    %c0_i32_0 = arith.constant 0 : i32
    %c0_i32_1 = arith.constant 0 : i32
    return %c0_i32, %c0_i32_0 : i32, i32
  }
  func.func @transform_5(%arg0: i32) -> (i32, i32) {
    %c0_i32 = arith.constant 0 : i32
    %c0_i32_0 = arith.constant 0 : i32
    return %arg0, %c0_i32 : i32, i32
  }
  func.func @transform_6(%arg0: i32) -> (i32, i32) {
    %c0_i32 = arith.constant 0 : i32
    %c0_i32_0 = arith.constant 0 : i32
    return %arg0, %c0_i32 : i32, i32
  }
  func.func @transform_7(%arg0: i32) -> (i32, i32) {
    %add3A = arith.constant 4 : i32
    %add3A_0 = arith.addi %arg0, %add3A : i32
    %c0_i32 = arith.constant 0 : i32
    %c0_i32_1 = arith.constant 0 : i32
    return %add3A_0, %c0_i32 : i32, i32
  }
  func.func @transform_8(%arg0: i32) -> (i32, i32) {
    %c0_i32 = arith.constant 0 : i32
    %c0_i32_0 = arith.constant 0 : i32
    return %arg0, %c0_i32 : i32, i32
  }
  func.func @transform_9(%arg0: i32) -> (i32, i32) {
    %c0_i32 = arith.constant 0 : i32
    %c0_i32_0 = arith.constant 0 : i32
    return %arg0, %c0_i32 : i32, i32
  }
}

module attributes {stable_mosaic.version = 14 : i64} {
  func.func @_moe_body(%arg0: i32, %arg1: memref<64xi32, #tpu.memory_space<smem>>, %arg2: memref<128x768xf32, #tpu.memory_space<vmem>>, %arg3: memref<1x768x768xf32, #tpu.memory_space<vmem>>, %arg4: memref<1x1x768xf32, #tpu.memory_space<vmem>>, %arg5: memref<1x768x768xf32, #tpu.memory_space<vmem>>, %arg6: memref<1x1x768xf32, #tpu.memory_space<vmem>>, %arg7: memref<128x768xf32, #tpu.memory_space<vmem>>) attributes {dimension_semantics = [#tpu.dimension_semantics<arbitrary>], iteration_bounds = array<i64: 46>, scalar_prefetch = 1 : i64, scratch_operands = 0 : i64, tpu.core_type = #tpu.core_type<tc>, window_params = [{transform_indices = @transform_0, window_bounds = array<i64: 128, 768>}, {transform_indices = @transform_1, window_bounds = array<i64: 1, 768, 768>}, {transform_indices = @transform_2, window_bounds = array<i64: 1, 1, 768>}, {transform_indices = @transform_3, window_bounds = array<i64: 1, 768, 768>}, {transform_indices = @transform_4, window_bounds = array<i64: 1, 1, 768>}, {transform_indices = @transform_5, window_bounds = array<i64: 128, 768>}]} {
    %get3A = arith.constant 0 : index
    %get3A_0 = arith.constant 0 : index
    %get3A_1 = vector.load %arg2[%get3A, %get3A_0] : memref<128x768xf32, #tpu.memory_space<vmem>>, vector<128x768xf32>
    %get3A_2 = arith.constant 0 : index
    %get3A_3 = arith.constant 0 : index
    %get3A_4 = arith.constant 0 : index
    %get3A_5 = vector.load %arg3[%get3A_2, %get3A_3, %get3A_4] : memref<1x768x768xf32, #tpu.memory_space<vmem>>, vector<1x768x768xf32>
    %get3A_6 = vector.shape_cast %get3A_5 : vector<1x768x768xf32> to vector<768x768xf32>
    %dot_general3A = arith.constant dense<0.000000e+00> : vector<128x768xf32>
    %dot_general3A_7 = tpu.matmul %get3A_1, %get3A_6, %dot_general3A {dimension_numbers = #tpu.dot_dimension_numbers<[1], [0], [0], [1], [0, 0, 1, 1], [], []>, transpose_lhs_hint = false} : vector<128x768xf32>, vector<768x768xf32>, vector<128x768xf32> -> vector<128x768xf32>
    %get3A_8 = arith.constant 0 : index
    %get3A_9 = arith.constant 0 : index
    %get3A_10 = arith.constant 0 : index
    %get3A_11 = vector.load %arg4[%get3A_8, %get3A_9, %get3A_10] : memref<1x1x768xf32, #tpu.memory_space<vmem>>, vector<1x1x768xf32>
    %get3A_12 = vector.shape_cast %get3A_11 : vector<1x1x768xf32> to vector<1x768xf32>
    %add3A = vector.broadcast %get3A_12 : vector<1x768xf32> to vector<128x768xf32>
    %add3A_13 = arith.addf %dot_general3A_7, %add3A : vector<128x768xf32>
    %mul3A = arith.constant 5.000000e-01 : f32
    %mul3A_14 = vector.broadcast %mul3A : f32 to vector<128x768xf32>
    %mul3A_15 = arith.mulf %mul3A_14, %add3A_13 : vector<128x768xf32>
    %mul3A_16 = arith.constant 0.707106769 : f32
    %mul3A_17 = vector.broadcast %mul3A_16 : f32 to vector<128x768xf32>
    %mul3A_18 = arith.mulf %add3A_13, %mul3A_17 : vector<128x768xf32>
    %erf3A = math.erf %mul3A_18 : vector<128x768xf32>
    %add3A_19 = arith.constant 1.000000e+00 : f32
    %add3A_20 = vector.broadcast %add3A_19 : f32 to vector<128x768xf32>
    %add3A_21 = arith.addf %add3A_20, %erf3A : vector<128x768xf32>
    %mul3A_22 = arith.mulf %mul3A_15, %add3A_21 : vector<128x768xf32>
    %get3A_23 = arith.constant 0 : index
    %get3A_24 = arith.constant 0 : index
    %get3A_25 = arith.constant 0 : index
    %get3A_26 = vector.load %arg5[%get3A_23, %get3A_24, %get3A_25] : memref<1x768x768xf32, #tpu.memory_space<vmem>>, vector<1x768x768xf32>
    %get3A_27 = vector.shape_cast %get3A_26 : vector<1x768x768xf32> to vector<768x768xf32>
    %dot_general3A_28 = arith.constant dense<0.000000e+00> : vector<128x768xf32>
    %dot_general3A_29 = tpu.matmul %mul3A_22, %get3A_27, %dot_general3A_28 {dimension_numbers = #tpu.dot_dimension_numbers<[1], [0], [0], [1], [0, 0, 1, 1], [], []>, transpose_lhs_hint = false} : vector<128x768xf32>, vector<768x768xf32>, vector<128x768xf32> -> vector<128x768xf32>
    %get3A_30 = arith.constant 0 : index
    %get3A_31 = arith.constant 0 : index
    %get3A_32 = arith.constant 0 : index
    %get3A_33 = vector.load %arg6[%get3A_30, %get3A_31, %get3A_32] : memref<1x1x768xf32, #tpu.memory_space<vmem>>, vector<1x1x768xf32>
    %get3A_34 = vector.shape_cast %get3A_33 : vector<1x1x768xf32> to vector<1x768xf32>
    %add3A_35 = vector.broadcast %get3A_34 : vector<1x768xf32> to vector<128x768xf32>
    %add3A_36 = arith.addf %dot_general3A_29, %add3A_35 : vector<128x768xf32>
    %swap3A = arith.constant 0 : index
    %swap3A_37 = arith.constant 0 : index
    %swap3A_38 = vector.load %arg7[%swap3A, %swap3A_37] : memref<128x768xf32, #tpu.memory_space<vmem>>, vector<128x768xf32>
    tpu.vector_store %arg7[%swap3A, %swap3A_37], %add3A_36 {strides = array<i32>} : memref<128x768xf32, #tpu.memory_space<vmem>>, vector<128x768xf32>,
    return
  }
  func.func @transform_0(%arg0: i32, %arg1: memref<64xi32, #tpu.memory_space<smem>>) -> (i32, i32) {
    %c0_i32 = arith.constant 0 : i32
    %c0_i32_0 = arith.constant 0 : i32
    return %arg0, %c0_i32 : i32, i32
  }
  func.func @transform_1(%arg0: i32, %arg1: memref<64xi32, #tpu.memory_space<smem>>) -> (i32, i32, i32) {
    %get3A = arith.index_cast %arg0 : i32 to index
    %get3A_0 = memref.load %arg1[%get3A] : memref<64xi32, #tpu.memory_space<smem>>
    %c0_i32 = arith.constant 0 : i32
    %c0_i32_1 = arith.constant 0 : i32
    %c0_i32_2 = arith.constant 0 : i32
    return %get3A_0, %c0_i32, %c0_i32_1 : i32, i32, i32
  }
  func.func @transform_2(%arg0: i32, %arg1: memref<64xi32, #tpu.memory_space<smem>>) -> (i32, i32, i32) {
    %get3A = arith.index_cast %arg0 : i32 to index
    %get3A_0 = memref.load %arg1[%get3A] : memref<64xi32, #tpu.memory_space<smem>>
    %c0_i32 = arith.constant 0 : i32
    %c0_i32_1 = arith.constant 0 : i32
    %c0_i32_2 = arith.constant 0 : i32
    return %get3A_0, %c0_i32, %c0_i32_1 : i32, i32, i32
  }
  func.func @transform_3(%arg0: i32, %arg1: memref<64xi32, #tpu.memory_space<smem>>) -> (i32, i32, i32) {
    %get3A = arith.index_cast %arg0 : i32 to index
    %get3A_0 = memref.load %arg1[%get3A] : memref<64xi32, #tpu.memory_space<smem>>
    %c0_i32 = arith.constant 0 : i32
    %c0_i32_1 = arith.constant 0 : i32
    %c0_i32_2 = arith.constant 0 : i32
    return %get3A_0, %c0_i32, %c0_i32_1 : i32, i32, i32
  }
  func.func @transform_4(%arg0: i32, %arg1: memref<64xi32, #tpu.memory_space<smem>>) -> (i32, i32, i32) {
    %get3A = arith.index_cast %arg0 : i32 to index
    %get3A_0 = memref.load %arg1[%get3A] : memref<64xi32, #tpu.memory_space<smem>>
    %c0_i32 = arith.constant 0 : i32
    %c0_i32_1 = arith.constant 0 : i32
    %c0_i32_2 = arith.constant 0 : i32
    return %get3A_0, %c0_i32, %c0_i32_1 : i32, i32, i32
  }
  func.func @transform_5(%arg0: i32, %arg1: memref<64xi32, #tpu.memory_space<smem>>) -> (i32, i32) {
    %c0_i32 = arith.constant 0 : i32
    %c0_i32_0 = arith.constant 0 : i32
    return %arg0, %c0_i32 : i32, i32
  }
}

module attributes {stable_mosaic.version = 14 : i64} {
  func.func @_attn_body(%arg0: i32, %arg1: memref<256x768xf32, #tpu.memory_space<vmem>>, %arg2: memref<1x768xf32, #tpu.memory_space<vmem>>, %arg3: memref<1x768xf32, #tpu.memory_space<vmem>>, %arg4: memref<768x768xf32, #tpu.memory_space<vmem>>, %arg5: memref<1x768xf32, #tpu.memory_space<vmem>>, %arg6: memref<768x768xf32, #tpu.memory_space<vmem>>, %arg7: memref<1x768xf32, #tpu.memory_space<vmem>>, %arg8: memref<768x768xf32, #tpu.memory_space<vmem>>, %arg9: memref<1x768xf32, #tpu.memory_space<vmem>>, %arg10: memref<2048x128xf32, #tpu.memory_space<vmem>>, %arg11: memref<2048x768xf32, #tpu.memory_space<vmem>>, %arg12: memref<2048x768xf32, #tpu.memory_space<vmem>>, %arg13: memref<2048x768xf32, #tpu.memory_space<vmem>>) attributes {dimension_semantics = [#tpu.dimension_semantics<arbitrary>], iteration_bounds = array<i64: 14>, scalar_prefetch = 0 : i64, scratch_operands = 3 : i64, tpu.core_type = #tpu.core_type<tc>, window_params = [{transform_indices = @transform_0, window_bounds = array<i64: 256, 768>}, {pipeline_mode = #tpu.pipeline_mode<synchronous>, transform_indices = @transform_1, window_bounds = array<i64: 1, 768>}, {pipeline_mode = #tpu.pipeline_mode<synchronous>, transform_indices = @transform_2, window_bounds = array<i64: 1, 768>}, {pipeline_mode = #tpu.pipeline_mode<synchronous>, transform_indices = @transform_3, window_bounds = array<i64: 768, 768>}, {pipeline_mode = #tpu.pipeline_mode<synchronous>, transform_indices = @transform_4, window_bounds = array<i64: 1, 768>}, {pipeline_mode = #tpu.pipeline_mode<synchronous>, transform_indices = @transform_5, window_bounds = array<i64: 768, 768>}, {pipeline_mode = #tpu.pipeline_mode<synchronous>, transform_indices = @transform_6, window_bounds = array<i64: 1, 768>}, {pipeline_mode = #tpu.pipeline_mode<synchronous>, transform_indices = @transform_7, window_bounds = array<i64: 768, 768>}, {pipeline_mode = #tpu.pipeline_mode<synchronous>, transform_indices = @transform_8, window_bounds = array<i64: 1, 768>}, {transform_indices = @transform_9, window_bounds = array<i64: 2048, 128>}]} {
    %lt3A = arith.constant 8 : i32
    %lt3A_0 = arith.cmpi slt, %arg0, %lt3A : i32
    %convert_element_type3A = arith.extui %lt3A_0 : i1 to i32
    %cond3A = arith.constant 0 : i32
    %cond3A_1 = arith.cmpi ne, %convert_element_type3A, %cond3A : i32
    scf.if %cond3A_1 {
      %get3A = arith.constant 0 : index
      %get3A_6 = arith.constant 0 : index
      %get3A_7 = vector.load %arg1[%get3A, %get3A_6] : memref<256x768xf32, #tpu.memory_space<vmem>>, vector<256x768xf32>
      %get3A_8 = arith.constant 0 : index
      %get3A_9 = arith.constant 0 : index
      %get3A_10 = vector.load %arg2[%get3A_8, %get3A_9] : memref<1x768xf32, #tpu.memory_space<vmem>>, vector<1x768xf32>
      %get3A_11 = arith.constant 0 : index
      %get3A_12 = arith.constant 0 : index
      %get3A_13 = vector.load %arg3[%get3A_11, %get3A_12] : memref<1x768xf32, #tpu.memory_space<vmem>>, vector<1x768xf32>
      %reduce_sum3A = arith.constant dense<0.000000e+00> : vector<256xf32>
      %reduce_sum3A_14 = vector.multi_reduction <add>, %get3A_7, %reduce_sum3A [1] : vector<256x768xf32> to vector<256xf32>
      %broadcast_in_dim3A = vector.shape_cast %reduce_sum3A_14 : vector<256xf32> to vector<256x1xf32>
      %div3A = arith.constant 7.680000e+02 : f32
      %div3A_15 = vector.broadcast %div3A : f32 to vector<256x1xf32>
      %div3A_16 = arith.divf %broadcast_in_dim3A, %div3A_15 : vector<256x1xf32>
      %sub3A = vector.broadcast %div3A_16 : vector<256x1xf32> to vector<256x768xf32>
      %sub3A_17 = arith.subf %get3A_7, %sub3A : vector<256x768xf32>
      %mul3A = arith.mulf %sub3A_17, %sub3A_17 : vector<256x768xf32>
      %reduce_sum3A_18 = arith.constant dense<0.000000e+00> : vector<256xf32>
      %reduce_sum3A_19 = vector.multi_reduction <add>, %mul3A, %reduce_sum3A_18 [1] : vector<256x768xf32> to vector<256xf32>
      %broadcast_in_dim3A_20 = vector.shape_cast %reduce_sum3A_19 : vector<256xf32> to vector<256x1xf32>
      %div3A_21 = arith.constant 7.680000e+02 : f32
      %div3A_22 = vector.broadcast %div3A_21 : f32 to vector<256x1xf32>
      %div3A_23 = arith.divf %broadcast_in_dim3A_20, %div3A_22 : vector<256x1xf32>
      %add3A = arith.constant 9.99999974E-6 : f32
      %add3A_24 = vector.broadcast %add3A : f32 to vector<256x1xf32>
      %add3A_25 = arith.addf %div3A_23, %add3A_24 : vector<256x1xf32>
      %rsqrt3A = math.rsqrt %add3A_25 : vector<256x1xf32>
      %mul3A_26 = vector.broadcast %rsqrt3A : vector<256x1xf32> to vector<256x768xf32>
      %mul3A_27 = arith.mulf %sub3A_17, %mul3A_26 : vector<256x768xf32>
      %mul3A_28 = vector.broadcast %get3A_10 : vector<1x768xf32> to vector<256x768xf32>
      %mul3A_29 = arith.mulf %mul3A_27, %mul3A_28 : vector<256x768xf32>
      %add3A_30 = vector.broadcast %get3A_13 : vector<1x768xf32> to vector<256x768xf32>
      %add3A_31 = arith.addf %mul3A_29, %add3A_30 : vector<256x768xf32>
      %mul3A_32 = arith.constant 256 : i32
      %mul3A_33 = arith.muli %arg0, %mul3A_32 : i32
      %get3A_34 = arith.constant 0 : index
      %get3A_35 = arith.constant 0 : index
      %get3A_36 = vector.load %arg4[%get3A_34, %get3A_35] : memref<768x768xf32, #tpu.memory_space<vmem>>, vector<768x768xf32>
      %dot_general3A = arith.constant dense<0.000000e+00> : vector<256x768xf32>
      %dot_general3A_37 = tpu.matmul %add3A_31, %get3A_36, %dot_general3A {dimension_numbers = #tpu.dot_dimension_numbers<[1], [0], [0], [1], [0, 0, 1, 1], [], []>, transpose_lhs_hint = false} : vector<256x768xf32>, vector<768x768xf32>, vector<256x768xf32> -> vector<256x768xf32>
      %get3A_38 = arith.constant 0 : index
      %get3A_39 = arith.constant 0 : index
      %get3A_40 = vector.load %arg5[%get3A_38, %get3A_39] : memref<1x768xf32, #tpu.memory_space<vmem>>, vector<1x768xf32>
      %add3A_41 = vector.broadcast %get3A_40 : vector<1x768xf32> to vector<256x768xf32>
      %add3A_42 = arith.addf %dot_general3A_37, %add3A_41 : vector<256x768xf32>
      %mul3A_43 = arith.constant 1.250000e-01 : f32
      %mul3A_44 = vector.broadcast %mul3A_43 : f32 to vector<256x768xf32>
      %mul3A_45 = arith.mulf %add3A_42, %mul3A_44 : vector<256x768xf32>
      %swap3A = arith.index_cast %mul3A_33 : i32 to index
      %swap3A_46 = arith.constant 0 : index
      %swap3A_47 = vector.load %arg11[%swap3A, %swap3A_46] : memref<2048x768xf32, #tpu.memory_space<vmem>>, vector<256x768xf32>
      tpu.vector_store %arg11[%swap3A, %swap3A_46], %mul3A_45 {strides = array<i32>} : memref<2048x768xf32, #tpu.memory_space<vmem>>, vector<256x768xf32>,
      %get3A_48 = arith.constant 0 : index
      %get3A_49 = arith.constant 0 : index
      %get3A_50 = vector.load %arg6[%get3A_48, %get3A_49] : memref<768x768xf32, #tpu.memory_space<vmem>>, vector<768x768xf32>
      %dot_general3A_51 = arith.constant dense<0.000000e+00> : vector<256x768xf32>
      %dot_general3A_52 = tpu.matmul %add3A_31, %get3A_50, %dot_general3A_51 {dimension_numbers = #tpu.dot_dimension_numbers<[1], [0], [0], [1], [0, 0, 1, 1], [], []>, transpose_lhs_hint = false} : vector<256x768xf32>, vector<768x768xf32>, vector<256x768xf32> -> vector<256x768xf32>
      %get3A_53 = arith.constant 0 : index
      %get3A_54 = arith.constant 0 : index
      %get3A_55 = vector.load %arg7[%get3A_53, %get3A_54] : memref<1x768xf32, #tpu.memory_space<vmem>>, vector<1x768xf32>
      %add3A_56 = vector.broadcast %get3A_55 : vector<1x768xf32> to vector<256x768xf32>
      %add3A_57 = arith.addf %dot_general3A_52, %add3A_56 : vector<256x768xf32>
      %swap3A_58 = arith.index_cast %mul3A_33 : i32 to index
      %swap3A_59 = arith.constant 0 : index
      %swap3A_60 = vector.load %arg12[%swap3A_58, %swap3A_59] : memref<2048x768xf32, #tpu.memory_space<vmem>>, vector<256x768xf32>
      tpu.vector_store %arg12[%swap3A_58, %swap3A_59], %add3A_57 {strides = array<i32>} : memref<2048x768xf32, #tpu.memory_space<vmem>>, vector<256x768xf32>,
      %get3A_61 = arith.constant 0 : index
      %get3A_62 = arith.constant 0 : index
      %get3A_63 = vector.load %arg8[%get3A_61, %get3A_62] : memref<768x768xf32, #tpu.memory_space<vmem>>, vector<768x768xf32>
      %dot_general3A_64 = arith.constant dense<0.000000e+00> : vector<256x768xf32>
      %dot_general3A_65 = tpu.matmul %add3A_31, %get3A_63, %dot_general3A_64 {dimension_numbers = #tpu.dot_dimension_numbers<[1], [0], [0], [1], [0, 0, 1, 1], [], []>, transpose_lhs_hint = false} : vector<256x768xf32>, vector<768x768xf32>, vector<256x768xf32> -> vector<256x768xf32>
      %get3A_66 = arith.constant 0 : index
      %get3A_67 = arith.constant 0 : index
      %get3A_68 = vector.load %arg9[%get3A_66, %get3A_67] : memref<1x768xf32, #tpu.memory_space<vmem>>, vector<1x768xf32>
      %add3A_69 = vector.broadcast %get3A_68 : vector<1x768xf32> to vector<256x768xf32>
      %add3A_70 = arith.addf %dot_general3A_65, %add3A_69 : vector<256x768xf32>
      %swap3A_71 = arith.index_cast %mul3A_33 : i32 to index
      %swap3A_72 = arith.constant 0 : index
      %swap3A_73 = vector.load %arg13[%swap3A_71, %swap3A_72] : memref<2048x768xf32, #tpu.memory_space<vmem>>, vector<256x768xf32>
      tpu.vector_store %arg13[%swap3A_71, %swap3A_72], %add3A_70 {strides = array<i32>} : memref<2048x768xf32, #tpu.memory_space<vmem>>, vector<256x768xf32>,
    } else {
    }
    %ge3A = arith.constant 8 : i32
    %ge3A_2 = arith.cmpi sge, %arg0, %ge3A : i32
    %convert_element_type3A_3 = arith.extui %ge3A_2 : i1 to i32
    %cond3A_4 = arith.constant 0 : i32
    %cond3A_5 = arith.cmpi ne, %convert_element_type3A_3, %cond3A_4 : i32
    scf.if %cond3A_5 {
      %sub3A = arith.constant 8 : i32
      %sub3A_6 = arith.subi %arg0, %sub3A : i32
      %mul3A = arith.constant 2 : i32
      %mul3A_7 = arith.muli %sub3A_6, %mul3A : i32
      %mul3A_8 = arith.constant 64 : i32
      %mul3A_9 = arith.muli %mul3A_7, %mul3A_8 : i32
      %multiple_of3A = tpu.assume_multiple %mul3A_9, 128 : i32
      %get3A = arith.constant 0 : index
      %get3A_10 = arith.index_cast %multiple_of3A : i32 to index
      %get3A_11 = vector.load %arg11[%get3A, %get3A_10] : memref<2048x768xf32, #tpu.memory_space<vmem>>, vector<2048x128xf32>
      %get3A_12 = arith.constant 0 : index
      %get3A_13 = arith.index_cast %multiple_of3A : i32 to index
      %get3A_14 = vector.load %arg12[%get3A_12, %get3A_13] : memref<2048x768xf32, #tpu.memory_space<vmem>>, vector<2048x128xf32>
      %get3A_15 = arith.constant 0 : index
      %get3A_16 = arith.index_cast %multiple_of3A : i32 to index
      %get3A_17 = vector.load %arg13[%get3A_15, %get3A_16] : memref<2048x768xf32, #tpu.memory_space<vmem>>, vector<2048x128xf32>
      %slice3A = vector.extract_strided_slice %get3A_11 {offsets = [0, 0], sizes = [2048, 64], strides = [1, 1]} : vector<2048x128xf32> to vector<2048x64xf32>
      %slice3A_18 = vector.extract_strided_slice %get3A_14 {offsets = [0, 0], sizes = [2048, 64], strides = [1, 1]} : vector<2048x128xf32> to vector<2048x64xf32>
      %slice3A_19 = vector.extract_strided_slice %get3A_17 {offsets = [0, 0], sizes = [2048, 64], strides = [1, 1]} : vector<2048x128xf32> to vector<2048x64xf32>
      %dot_general3A = arith.constant dense<0.000000e+00> : vector<2048x2048xf32>
      %dot_general3A_20 = tpu.matmul %slice3A, %slice3A_18, %dot_general3A {dimension_numbers = #tpu.dot_dimension_numbers<[1], [1], [0], [0], [0, 0, 1, 0], [], []>, transpose_lhs_hint = false} : vector<2048x64xf32>, vector<2048x64xf32>, vector<2048x2048xf32> -> vector<2048x2048xf32>
      %exp3A = math.exp %dot_general3A_20 : vector<2048x2048xf32>
      %broadcast_in_dim3A = arith.constant 1.000000e+00 : f32
      %broadcast_in_dim3A_21 = vector.broadcast %broadcast_in_dim3A : f32 to vector<2048x1xf32>
      %concatenate3A = tpu.concatenate %slice3A_19, %broadcast_in_dim3A_21 in 1 : vector<2048x64xf32>, vector<2048x1xf32> -> vector<2048x65xf32>
      %dot_general3A_22 = arith.constant dense<0.000000e+00> : vector<2048x65xf32>
      %dot_general3A_23 = tpu.matmul %exp3A, %concatenate3A, %dot_general3A_22 {dimension_numbers = #tpu.dot_dimension_numbers<[1], [0], [0], [1], [0, 0, 1, 1], [], []>, transpose_lhs_hint = false} : vector<2048x2048xf32>, vector<2048x65xf32>, vector<2048x65xf32> -> vector<2048x65xf32>
      %slice3A_24 = vector.extract_strided_slice %dot_general3A_23 {offsets = [0, 0], sizes = [2048, 64], strides = [1, 1]} : vector<2048x65xf32> to vector<2048x64xf32>
      %slice3A_25 = vector.extract_strided_slice %dot_general3A_23 {offsets = [0, 64], sizes = [2048, 1], strides = [1, 1]} : vector<2048x65xf32> to vector<2048x1xf32>
      %div3A = vector.broadcast %slice3A_25 : vector<2048x1xf32> to vector<2048x64xf32>
      %div3A_26 = arith.divf %slice3A_24, %div3A : vector<2048x64xf32>
      %swap3A = arith.constant 0 : index
      %swap3A_27 = arith.constant 0 : index
      %swap3A_28 = vector.load %arg10[%swap3A, %swap3A_27] : memref<2048x128xf32, #tpu.memory_space<vmem>>, vector<2048x64xf32>
      tpu.vector_store %arg10[%swap3A, %swap3A_27], %div3A_26 {strides = array<i32>} : memref<2048x128xf32, #tpu.memory_space<vmem>>, vector<2048x64xf32>,
      %slice3A_29 = vector.extract_strided_slice %get3A_11 {offsets = [0, 64], sizes = [2048, 64], strides = [1, 1]} : vector<2048x128xf32> to vector<2048x64xf32>
      %slice3A_30 = vector.extract_strided_slice %get3A_14 {offsets = [0, 64], sizes = [2048, 64], strides = [1, 1]} : vector<2048x128xf32> to vector<2048x64xf32>
      %slice3A_31 = vector.extract_strided_slice %get3A_17 {offsets = [0, 64], sizes = [2048, 64], strides = [1, 1]} : vector<2048x128xf32> to vector<2048x64xf32>
      %dot_general3A_32 = arith.constant dense<0.000000e+00> : vector<2048x2048xf32>
      %dot_general3A_33 = tpu.matmul %slice3A_29, %slice3A_30, %dot_general3A_32 {dimension_numbers = #tpu.dot_dimension_numbers<[1], [1], [0], [0], [0, 0, 1, 0], [], []>, transpose_lhs_hint = false} : vector<2048x64xf32>, vector<2048x64xf32>, vector<2048x2048xf32> -> vector<2048x2048xf32>
      %exp3A_34 = math.exp %dot_general3A_33 : vector<2048x2048xf32>
      %broadcast_in_dim3A_35 = arith.constant 1.000000e+00 : f32
      %broadcast_in_dim3A_36 = vector.broadcast %broadcast_in_dim3A_35 : f32 to vector<2048x1xf32>
      %concatenate3A_37 = tpu.concatenate %slice3A_31, %broadcast_in_dim3A_36 in 1 : vector<2048x64xf32>, vector<2048x1xf32> -> vector<2048x65xf32>
      %dot_general3A_38 = arith.constant dense<0.000000e+00> : vector<2048x65xf32>
      %dot_general3A_39 = tpu.matmul %exp3A_34, %concatenate3A_37, %dot_general3A_38 {dimension_numbers = #tpu.dot_dimension_numbers<[1], [0], [0], [1], [0, 0, 1, 1], [], []>, transpose_lhs_hint = false} : vector<2048x2048xf32>, vector<2048x65xf32>, vector<2048x65xf32> -> vector<2048x65xf32>
      %slice3A_40 = vector.extract_strided_slice %dot_general3A_39 {offsets = [0, 0], sizes = [2048, 64], strides = [1, 1]} : vector<2048x65xf32> to vector<2048x64xf32>
      %slice3A_41 = vector.extract_strided_slice %dot_general3A_39 {offsets = [0, 64], sizes = [2048, 1], strides = [1, 1]} : vector<2048x65xf32> to vector<2048x1xf32>
      %div3A_42 = vector.broadcast %slice3A_41 : vector<2048x1xf32> to vector<2048x64xf32>
      %div3A_43 = arith.divf %slice3A_40, %div3A_42 : vector<2048x64xf32>
      %swap3A_44 = arith.constant 0 : index
      %swap3A_45 = arith.constant 64 : index
      %swap3A_46 = vector.load %arg10[%swap3A_44, %swap3A_45] : memref<2048x128xf32, #tpu.memory_space<vmem>>, vector<2048x64xf32>
      tpu.vector_store %arg10[%swap3A_44, %swap3A_45], %div3A_43 {strides = array<i32>} : memref<2048x128xf32, #tpu.memory_space<vmem>>, vector<2048x64xf32>,
    } else {
    }
    return
  }
  func.func @transform_0(%arg0: i32) -> (i32, i32) {
    %min3A = arith.constant 7 : i32
    %min3A_0 = arith.minsi %arg0, %min3A : i32
    %c0_i32 = arith.constant 0 : i32
    %c0_i32_1 = arith.constant 0 : i32
    return %min3A_0, %c0_i32 : i32, i32
  }
  func.func @transform_1(%arg0: i32) -> (i32, i32) {
    %c0_i32 = arith.constant 0 : i32
    %c0_i32_0 = arith.constant 0 : i32
    %c0_i32_1 = arith.constant 0 : i32
    return %c0_i32, %c0_i32_0 : i32, i32
  }
  func.func @transform_2(%arg0: i32) -> (i32, i32) {
    %c0_i32 = arith.constant 0 : i32
    %c0_i32_0 = arith.constant 0 : i32
    %c0_i32_1 = arith.constant 0 : i32
    return %c0_i32, %c0_i32_0 : i32, i32
  }
  func.func @transform_3(%arg0: i32) -> (i32, i32) {
    %c0_i32 = arith.constant 0 : i32
    %c0_i32_0 = arith.constant 0 : i32
    %c0_i32_1 = arith.constant 0 : i32
    return %c0_i32, %c0_i32_0 : i32, i32
  }
  func.func @transform_4(%arg0: i32) -> (i32, i32) {
    %c0_i32 = arith.constant 0 : i32
    %c0_i32_0 = arith.constant 0 : i32
    %c0_i32_1 = arith.constant 0 : i32
    return %c0_i32, %c0_i32_0 : i32, i32
  }
  func.func @transform_5(%arg0: i32) -> (i32, i32) {
    %c0_i32 = arith.constant 0 : i32
    %c0_i32_0 = arith.constant 0 : i32
    %c0_i32_1 = arith.constant 0 : i32
    return %c0_i32, %c0_i32_0 : i32, i32
  }
  func.func @transform_6(%arg0: i32) -> (i32, i32) {
    %c0_i32 = arith.constant 0 : i32
    %c0_i32_0 = arith.constant 0 : i32
    %c0_i32_1 = arith.constant 0 : i32
    return %c0_i32, %c0_i32_0 : i32, i32
  }
  func.func @transform_7(%arg0: i32) -> (i32, i32) {
    %c0_i32 = arith.constant 0 : i32
    %c0_i32_0 = arith.constant 0 : i32
    %c0_i32_1 = arith.constant 0 : i32
    return %c0_i32, %c0_i32_0 : i32, i32
  }
  func.func @transform_8(%arg0: i32) -> (i32, i32) {
    %c0_i32 = arith.constant 0 : i32
    %c0_i32_0 = arith.constant 0 : i32
    %c0_i32_1 = arith.constant 0 : i32
    return %c0_i32, %c0_i32_0 : i32, i32
  }
  func.func @transform_9(%arg0: i32) -> (i32, i32) {
    %sub3A = arith.constant 8 : i32
    %sub3A_0 = arith.subi %arg0, %sub3A : i32
    %max3A = arith.constant 0 : i32
    %max3A_1 = arith.maxsi %sub3A_0, %max3A : i32
    %c0_i32 = arith.constant 0 : i32
    %c0_i32_2 = arith.constant 0 : i32
    return %c0_i32, %max3A_1 : i32, i32
  }
}

</mosaic_0001>

<sc_bundles>
// kernel: kernel.11.cloned.1.call-start
scs
__scs_entry_jumppad:
0x0: {  	(pc) =	sbr.rel $0x88, $3  }
0x1: {  	(tag) =	ssettag $0x0;
	lr =	simm.s32 $0x1  }
0x2: {  	[smem:$0x3F8A] =	sst lr;
	_ =	strace $0xD0000000  }
0x3: {  	_ = 	snop  }
0x4: {  	_ = 	snop  }
0x5: {  	_ = 	snop  }
0x6: {  	_ = 	snop  }
0x7: {  	_ = 	snop  }
__scs_overlays_trampoline_lowered:
0x8: {  	[smem:$0x3F99] =	sst s0  }
0x9: {  	[smem:$0x3F9A] =	sst s1  }
0xa: {  	[smem:$0x3F9B] =	sst s2  }
0xb: {  	[smem:$0x3F9C] =	sst s3  }
0xc: {  	[smem:$0x3F9D] =	sst s4  }
0xd: {  	[smem:$0x3F9E] =	sst s5  }
0xe: {  	[smem:$0x3F9F] =	sst s6  }
0xf: {  	[smem:$0x3FA0] =	sst s7  }
0x10: {  	[smem:$0x3FA1] =	sst s8  }
0x11: {  	[smem:$0x3FA2] =	sst s9;
	s0 =	simm.s32 @!p0 $0x0  }
0x12: {  	s1 =	sld [smem:$0x3F88];
	s0 =	simm.s32 @p0 $0x1  }
0x13: {  	[smem:$0x3FA3] =	sst s0;
	s0 =	simm.s32 @!p1 $0x0  }
0x14: {  	s2 =	sld [smem:$0x3F87];
	s0 =	simm.s32 @p1 $0x1  }
0x15: {  	[smem:$0x3FA4] =	sst s0;
	s0 =	simm.s32 @!p2 $0x0  }
0x16: {  	s3 =	sld [smem:$0x3FDB];
	s0 =	simm.s32 @p2 $0x1  }
0x17: {  	s4 =	simm.s32 $0x1BF5;
	[smem:$0x3FA6] =	sst s0  }
0x18: {  	s0 =	sld [smem:$0x3F89];
	_ =	swait.ge [sflag:s4], $0x0  }
0x19: {  	s7 =	sld [smem:$0x3F8A]  }
0x1a: {  	s8 =	sadd.s32 $0xFFFFE003, lr  }
0x1b: {  	s9 =	sadd.s32 $0xFFFFFEF7, lr;
	s5 =	simm.s32 $0xFFFFFFFF;
	p2 =	slt.u32 s8, $0xFFFFF086  }
0x1c: {  	p1 =	slt.u32 s9, $0xF7A;
	s5 =	simm.s32 @!p2 $0x0  }
0x1d: {  	s5 =	simm.s32 @p1 $0x1;
	p0 =	seq.s32 s7, s2  }
0x1e: {  	s7 =	smul.u32 @!p0 $0xF7A, s2;
	p2 =	seq.s32 @!p0 s5, $0x0  }
0x1f: {  	s9 =	smul.u32 $0xF7A, s1;
	s8 =	simm.s32 @!p0 $0x1BF5;
	p2 =	por !p2, p0  }
0x20: {  	[sflag:s8] =	ssyncset.s32 @!p0 $0xFFFFF086;
	s6 =	sadd.s32 @!p0 s3, s7;
	s7 =	simm.s32 @!p0 $0x108  }
0x21: {  	s3 =	sadd.s32 s3, s9;
	s6 =	sadd.s32 @!p0 $0x88, s6;
	s7 =	simm.s32 @p2 $0x1082  }
0x22: {  	[simem:s7], [sflag:s8] =	dma.local @!p0 [hbm:s6], $0xF7A  }
0x23: {  	s9 =	sor.u32 $0xD0000000, s2;
	s6 =	simm.s32 $0x108;
	_ =	swait.ge @!p0 [sflag:s8], $0x0  }
0x24: {  	s3 =	sadd.s32 $0x88, s3;
	s6 =	simm.s32 @!p1 $0x1082;
	[sflag:s4] =	ssyncset.s32 $0xFFFFF086  }
0x25: {  	[simem:s6], [sflag:s4] =	dma.local [hbm:s3], $0xF7A  }
0x26: {  	[smem:$0x3F8A] =	sst s1;
	(tag) =	ssettag s2;
	_ =	strace s9  }
0x27: {  	s1 =	sld [smem:$0x3F9A]  }
0x28: {  	s2 =	sld [smem:$0x3F9B]  }
0x29: {  	s4 =	sld [smem:$0x3F9D]  }
0x2a: {  	p0 =	seq.s32 s5, $0x0;
	s5 =	sld [smem:$0x3F9E]  }
0x2b: {  	s6 =	sld [smem:$0x3F9F]  }
0x2c: {  	s7 =	sld [smem:$0x3FA0]  }
0x2d: {  	s3 =	simm.s32 $0x108;
	s8 =	sld [smem:$0x3FA1]  }
0x2e: {  	s3 =	simm.s32 @!p0 $0x1082;
	s9 =	sld [smem:$0x3FA2]  }
0x2f: {  	lr =	sadd.s32 s0, s3;
	s0 =	sld [smem:$0x3F99]  }
0x30: {  	s3 =	sld [smem:$0x3F9C]  }
0x31: {  	[smem:$0x3FA5] =	sst s10  }
0x32: {  	s10 =	sld [smem:$0x3FA3];
	_ =	sdelay $0x3  }
0x33: {  	p0 =	seq.s32 s10, $0x1;
	s10 =	sld [smem:$0x3FA5];
	_ =	sdelay $0x3  }
0x34: {  	[smem:$0x3FA5] =	sst s10  }
0x35: {  	s10 =	sld [smem:$0x3FA4];
	_ =	sdelay $0x3  }
0x36: {  	p1 =	seq.s32 s10, $0x1;
	s10 =	sld [smem:$0x3FA5];
	_ =	sdelay $0x3  }
0x37: {  	[smem:$0x3FA5] =	sst s10  }
0x38: {  	s10 =	sld [smem:$0x3FA6]  }
0x39: {  	_ = 	snop;
	(pc) =	sbr.ind lr, $3  }
0x3a: {  	_ = 	snop  }
0x3b: {  	_ = 	snop  }
0x3c: {  	p2 =	seq.s32 s10, $0x1;
	s10 =	sld [smem:$0x3FA5]  }
0x3d: {  	_ =	shalt  }
0x3e: {  	_ =	shalt  }
0x3f: {  	_ =	shalt  }
0x40: {  	_ =	shalt  }
0x41: {  	_ =	shalt  }
0x42: {  	_ =	shalt  }
0x43: {  	_ =	shalt  }
0x44: {  	_ =	shalt  }
0x45: {  	_ =	shalt  }
0x46: {  	_ =	shalt  }
0x47: {  	_ =	shalt  }
0x48: {  	_ =	shalt  }
0x49: {  	_ =	shalt  }
0x4a: {  	_ =	shalt  }
0x4b: {  	_ =	shalt  }
0x4c: {  	_ =	shalt  }
0x4d: {  	_ =	shalt  }
0x4e: {  	_ =	shalt  }
0x4f: {  	_ =	shalt  }
0x50: {  	_ =	shalt  }
0x51: {  	_ =	shalt  }
0x52: {  	_ =	shalt  }
0x53: {  	_ =	shalt  }
0x54: {  	_ =	shalt  }
0x55: {  	_ =	shalt  }
0x56: {  	_ =	shalt  }
0x57: {  	_ =	shalt  }
0x58: {  	_ =	shalt  }
0x59: {  	_ =	shalt  }
0x5a: {  	_ =	shalt  }
0x5b: {  	_ =	shalt  }
0x5c: {  	_ =	shalt  }
0x5d: {  	_ =	shalt  }
0x5e: {  	_ =	shalt  }
0x5f: {  	_ =	shalt  }
0x60: {  	_ =	shalt  }
0x61: {  	_ =	shalt  }
0x62: {  	_ =	shalt  }
0x63: {  	_ =	shalt  }
0x64: {  	_ =	shalt  }
0x65: {  	_ =	shalt  }
0x66: {  	_ =	shalt  }
0x67: {  	_ =	shalt  }
0x68: {  	_ =	shalt  }
0x69: {  	_ =	shalt  }
0x6a: {  	_ =	shalt  }
0x6b: {  	_ =	shalt  }
0x6c: {  	_ =	shalt  }
0x6d: {  	_ =	shalt  }
0x6e: {  	_ =	shalt  }
0x6f: {  	_ =	shalt  }
0x70: {  	_ =	shalt  }
0x71: {  	_ =	shalt  }
0x72: {  	_ =	shalt  }
0x73: {  	_ =	shalt  }
0x74: {  	_ =	shalt  }
0x75: {  	_ =	shalt  }
0x76: {  	_ =	shalt  }
0x77: {  	_ =	shalt  }
0x78: {  	_ =	shalt  }
0x79: {  	_ =	shalt  }
0x7a: {  	_ =	shalt  }
0x7b: {  	_ =	shalt  }
0x7c: {  	_ =	shalt  }
0x7d: {  	_ =	shalt  }
0x7e: {  	_ =	shalt  }
0x7f: {  	_ =	shalt  }
0x80: {  	_ =	shalt  }
0x81: {  	_ =	shalt  }
0x82: {  	_ =	shalt  }
0x83: {  	_ =	shalt  }
0x84: {  	_ =	shalt  }
0x85: {  	_ =	shalt  }
0x86: {  	_ =	shalt  }
0x87: {  	_ =	shalt  }
.Lfunc_end0:
.L_simem_size_0:
called_computation.1_lowered:
.L_overlay_start_0:
0x88: {  	s2 =	sld [smem:$0x3FD9]  }
0x89: {  	s3 =	sld [smem:$0x3FFE];
	_ =	sdelay $0x1  }
0x8a: {  	s1 =	srdreg.scid  }
0x8b: {  	s0 =	sand.u32 $0x1, s1  }
0x8c: {  	s16 =	sshll.u32 s0, $0xA;
	s2 =	sadd.s32 s3, s2  }
0x8d: {  	s2 =	sadd.s32 s2, s16  }
0x8e: {  	[smem:$0x3FB1] =	sst s2  }
0x8f: {  	_ = 	snop  }
0x90: {  	(tm) =	ssettm $0x1  }
0x91: {  	s17 =	sld [smem:$0x3FFB];
	_ =	sdelay $0x3  }
0x92: {  	_ =	strace s17  }
0x93: {  	s2 =	sld [smem:$0x3FFC];
	_ =	sdelay $0x3  }
0x94: {  	_ =	strace s2  }
0x95: {  	s2 =	sld [smem:$0x3FFD];
	_ =	sdelay $0x3  }
0x96: {  	_ =	strace s2  }
0x97: {  	_ =	strace $0x8FFFFFFF  }
0x98: {  	s18 =	sld [smem:$0x3FDB];
	_ =	sdelay $0x1  }
0x99: {  	s19 =	simm.s32 $_scs_section_size  }
0x9a: {  	s4 =	simm.s32 $_size__tile_overlayer_lowered;
	s5 =	simm.s32 $_tile_overlayer_lowered  }
0x9b: {  	s22 =	simm.s32 $0x1BFF;
	s21 =	sshll.u32 s5, $0x1;
	s2 =	sadd.s32 s19, s18  }
0x9c: {  	s6 =	simm.s32 $0x0;
	s20 =	sshll.u32 s4, $0x1;
	s4 =	sadd.s32 s21, s2  }
0x9d: {  	[timem:s6], [sflag:s22] =	dma.local [hbm:s4], s20  }
0x9e: {  	_ =	swait.ge [sflag:s22], s20  }
0x9f: {  	s3 =	ssub.s32 $0x0, s20;
	[sflag:s22] =	ssyncset.done $0x0  }
0xa0: {  	[sflag:s22] =	ssyncadd.s32 s3;
	_ =	sdelay $0x1  }
0xa1: {  	s23 =	simm.s32 $0x1B8B  }
0xa2: {  	_ =	swait.ge [sflag:s23], $0x1  }
0xa3: {  	[sflag:s23] =	ssyncset.done $0x0  }
0xa4: {  	s25 =	simm.s32 $0x1B8E;
	s24 =	sld [smem:$0x3FFE];
	[sflag:s23] =	ssyncadd.s32 $0xFFFFFFFF  }
0xa5: {  	s26 =	simm.s32 $execute0_lowered;
	[smem:$0x3FD2] =	sst s25  }
0xa6: {  	s4 =	sshll.u32 s26, $0x1;
	_ =	strace $0x80000049;
	[dreg:$0x1] =	wrdreg $0xFFFFFFFF  }
0xa7: {  	s28 =	simm.s32 $_size_execute0_lowered;
	s2 =	sadd.s32 s2, s4;
	[dreg:$0x0] =	wrdreg $0x0  }
0xa8: {  	s4 =	sshll.u32 s28, $0x1;
	[dreg:$0x2] =	wrdreg s2  }
0xa9: {  	[dreg:$0x3] =	wrdreg s4  }
0xaa: {  	[dreg:$0x4] =	wrdreg $0xC0  }
0xab: {  	_ =	task [dreg:s6], $0x5FFFF  }
0xac: {  	[dreg:$0x1] =	wrdreg $0xFFFFFFFF  }
0xad: {  	[dreg:$0x0] =	wrdreg $0x60  }
0xae: {  	[dreg:$0x2] =	wrdreg s24  }
0xaf: {  	[dreg:$0x3] =	wrdreg $0x9  }
0xb0: {  	_ =	task.clear_ibuf [dreg:s6], $0x4FFFF;
	_ =	strace $0x90000049  }
0xb1: {  	s29 =	simm.s32 $0x9;
	_ =	strace $0x8000004B  }
0xb2: {  	_ =	swait.ge [sflag:s29], $0x1  }
0xb3: {  	[sflag:s29] =	ssyncadd.s32 $0xFFFFFFFF  }
0xb4: {  	_ =	strace $0x9000004B  }
0xb5: {  	_ =	sfence  }
0xb6: {  	s30 =	sld [smem:$0x0];
	_ =	sdelay $0x2  }
0xb7: {  	s31 =	sshll.u32 s1, $0xD;
	s1 =	sshrl.u32 s1, $0x2  }
0xb8: {  	s3 =	sand.u32 $0x4000, s31;
	s1 =	sadd.s32 s1, s30  }
0xb9: {  	s0 =	sor.u32 s3, s0;
	s1 =	sshll.u32 s1, $0x11  }
0xba: {  	s0 =	sor.u32 s1, s0  }
0xbb: {  	s0 =	sadd.s32 $0x8F2B, s0  }
0xbc: {  	[sflag:s0] =	ssyncadd.remote.s32 $0x1  }
0xbd: {  	_ =	sfence.sel $0xFFFF  }
0xbe: {  	[dreg:$0x0] =	wrdreg $0xFFFFFFFF;
	(pc) =	sbr.abs _section_cstart, $3  }
0xbf: {  	[dreg:$0x1] =	wrdreg $0xFFFFFFFF  }
0xc0: {  	_ =	task.clear_ibuf [dreg:s6], $0x2FFFF;
	_ =	strace $0x9FFFFFFF  }
0xc1: {  	(tm) =	ssettm $0x7FFFFFFF  }
tec
execute0_lowered:
.L_overlay_start_1:
0x0: {  	(tag) =	ssettag $0x1  }
0x1: {  	s0 =	stileid.u32  }
0x2: {  	s1 =	srdreg.scid;
	s2 =	sshll.u32 s0, $0x1  }
0x3: {  	s4 =	sand.u32 $0x1, s1;
	s23 =	sand.u32 $0xE, s2  }
0x4: {  	s24 =	sshll.u32 s0, $0x5;
	s1 =	sor.u32 s4, s23  }
0x5: {  	s2 =	sand.u32 $0x100, s24;
	s3 =	sshll.u32 s1, $0x4  }
0x6: {  	s1 =	rddreg [dreg:$0x0];
	s3 =	sor.u32 s2, s3;
	s2 =	simm.s32 $0x0  }
0x7: {  	s26 =	simm.s32 $0x18000;
	[smem:$0x7FF] =	sst s2  }
0x8: {  	s0 =	simm.s32 $0x800;
	_ =	strace $0x8000004A;
	[dreg:$0x4] =	wrdreg s26  }
0x9: {  	s6 =	simm.s32 $0x1800;
	[dreg:$0x5] =	wrdreg s0  }
0xa: {  	s7 =	simm.s32 $0x2000;
	[dreg:$0x7] =	wrdreg s6  }
0xb: {  	s8 =	simm.s32 $0x2800;
	[dreg:$0x8] =	wrdreg s7  }
0xc: {  	s9 =	simm.s32 $0x3000;
	[dreg:$0x9] =	wrdreg s8  }
0xd: {  	s10 =	simm.s32 $0x3800;
	[dreg:$0xa] =	wrdreg s9  }
0xe: {  	s11 =	simm.s32 $0x4000;
	[dreg:$0xb] =	wrdreg s10  }
0xf: {  	s12 =	simm.s32 $0x4800;
	[dreg:$0xc] =	wrdreg s11  }
0x10: {  	s13 =	simm.s32 $0x5000;
	[dreg:$0xd] =	wrdreg s12  }
0x11: {  	s14 =	simm.s32 $0x5800;
	[dreg:$0xe] =	wrdreg s13  }
0x12: {  	s15 =	simm.s32 $0x6000;
	[dreg:$0xf] =	wrdreg s14  }
0x13: {  	s16 =	simm.s32 $0x6800;
	[dreg:$0x10] =	wrdreg s15  }
0x14: {  	s17 =	simm.s32 $0x7000;
	s18 =	simm.s32 $0x7800;
	[dreg:$0x11] =	wrdreg s16  }
0x15: {  	s19 =	simm.s32 $0x8000;
	s20 =	simm.s32 $0x8800;
	[dreg:$0x12] =	wrdreg s17  }
0x16: {  	s21 =	simm.s32 $0x9000;
	s22 =	simm.s32 $0x9800;
	[dreg:$0x13] =	wrdreg s18  }
0x17: {  	s28 =	simm.s32 $0x16000;
	s29 =	simm.s32 $0x16800;
	[dreg:$0x14] =	wrdreg s19  }
0x18: {  	s30 =	simm.s32 $0x17000;
	s31 =	simm.s32 $0x17800;
	[dreg:$0x15] =	wrdreg s20  }
0x19: {  	s24 =	simm.s32 $0xA800;
	s23 =	simm.s32 $0xA000;
	[dreg:$0x16] =	wrdreg s21  }
0x1a: {  	s5 =	smul.u32 $0x300, s3;
	s3 =	sadd.s32 s3, s1;
	[dreg:$0x17] =	wrdreg s22  }
0x1b: {  	s4 =	ssub.s32 $0x2, s4;
	s3 =	sadd.s32 $0x4200, s3;
	[dreg:$0x18] =	wrdreg s23  }
0x1c: {  	s6 =	sshrl.u32 s4, $0x1;
	[dreg:$0x19] =	wrdreg s24;
	s7 =	simm.s32 $0xB800  }
0x1d: {  	s26 =	simm.s32 $0xC000;
	s9 =	simm.s32 $0xD000;
	s10 =	simm.s32 $0xD800  }
0x1e: {  	s11 =	simm.s32 $0xE000;
	s12 =	simm.s32 $0xE800;
	s13 =	simm.s32 $0xF000  }
0x1f: {  	s14 =	simm.s32 $0xF800;
	s15 =	simm.s32 $0x10000;
	s16 =	simm.s32 $0x10800  }
0x20: {  	s17 =	simm.s32 $0x11000;
	s18 =	simm.s32 $0x11800;
	s19 =	simm.s32 $0x12000  }
0x21: {  	s20 =	simm.s32 $0x12800;
	s21 =	simm.s32 $0x13000;
	s22 =	simm.s32 $0x13800  }
0x22: {  	s23 =	simm.s32 $0x14000;
	s24 =	simm.s32 $0x14800;
	s5 =	sadd.s32 s5, s1  }
0x23: {  	[dreg:$0x2] =	wrdreg s3;
	s3 =	sadd.s32 $0x3C400, s1;
	s6 =	ssub.s32 s4, s6  }
0x24: {  	s4 =	sadd.s32 $0x3C500, s1;
	[dreg:$0x1b] =	wrdreg s7;
	s7 =	simm.s32 $0x2  }
0x25: {  	[dreg:$0x1c] =	wrdreg s26;
	s26 =	simm.s32 $0x15800;
	s25 =	sadd.s32 $0xC6400, s5  }
0x26: {  	v2 =	vlaneseq.u32;
	s5 =	simm.s32 $0x1000;
	s6 =	smax.u32 s6, $0x1;
	[dreg:$0x3] =	wrdreg s25  }
0x27: {  	vm0 =	vmmov $0xffff;
	v1 =	vshrl.u32 v2, $0x3;
	[dreg:$0x6] =	wrdreg s5;
	s25 =	simm.s32 $0xB000;
	s5 =	sadd.s32 $0x3C600, s1  }
0x28: {  	v0 =	vand.u32 $0x7, v2;
	v2 =	vor.u32 $0x8, v2;
	v1 =	vmul.u32 $0x8, v1;
	s1 =	simm.s32 $0x1;
	[dreg:$0x1a] =	wrdreg s25;
	s25 =	simm.s32 $0x15000  }
.LBB2_1:
0x29: {  	s0 =	rddreg [dreg:$0x2]  }
0x2a: {  	s8 =	rddreg [dreg:$0x4]  }
0x2b: {  	[tilespmem:s8], [sflag:$0x2] =	stream.linear.gather [hbm4b:s0+s2], $0x80, $0x38;
	[tilespmem:$0x18080] =	vst v63  }
0x2c: {  	_ =	swait.ge [sflag:s7], $0x80  }
0x2d: {  	[sflag:s7] =	ssyncset.done $0x0  }
0x2e: {  	[sflag:s7] =	ssyncadd.s32 $0xFFFFFF80  }
0x2f: {  	v3 =	vld [tilespmem:$0x18000];
	_ =	sdelay $0x4  }
0x30: {  	v4 =	vshrl.u32 v3, $0x3  }
0x31: {  	v4 =	vmul.u32 $0x30, v4  }
0x32: {  	v3 =	vand.u32 $0x7, v3  }
0x33: {  	v3 =	vor.u32 v3, v4  }
0x34: {  	v4 =	vperm.xlane v3, v0;
	_ =	sdelay $0x1  }
0x35: {  	v4 =	vadd.s32 v1, v4;
	_ =	sdelay $0x3  }
0x36: {  	v3 =	vperm.xlane v3, v2  }
0x37: {  	[tilespmem:s2], [sflag:$0x1] =	stream.indirect_vreg.gather [hbm4b:s3+s2], $0x80, v4, vm0, $0xb8;
	[tilespmem:$0x18080] =	vst v63  }
0x38: {  	s0 =	rddreg [dreg:$0x5];
	v3 =	vadd.s32 v1, v3  }
0x39: {  	[tilespmem:s0], [sflag:$0x1] =	stream.indirect_vreg.gather [hbm4b:s4+s2], $0x80, v4, vm0, $0xb8;
	[tilespmem:$0x18080] =	vst v63  }
0x3a: {  	s8 =	rddreg [dreg:$0x6]  }
0x3b: {  	[tilespmem:s8], [sflag:$0x1] =	stream.indirect_vreg.gather [hbm4b:s5+s2], $0x80, v4, vm0, $0xb8;
	[tilespmem:$0x18080] =	vst v63  }
0x3c: {  	s0 =	rddreg [dreg:$0x7]  }
0x3d: {  	[tilespmem:s0], [sflag:$0x1] =	stream.indirect_vreg.gather [hbm4b:s3+s2], $0x80, v3, vm0, $0xb8;
	[tilespmem:$0x18080] =	vst v63  }
0x3e: {  	s8 =	rddreg [dreg:$0x8]  }
0x3f: {  	[tilespmem:s8], [sflag:$0x1] =	stream.indirect_vreg.gather [hbm4b:s4+s2], $0x80, v3, vm0, $0xb8;
	[tilespmem:$0x18080] =	vst v63  }
0x40: {  	s0 =	rddreg [dreg:$0x9]  }
0x41: {  	[tilespmem:s0], [sflag:$0x1] =	stream.indirect_vreg.gather [hbm4b:s5+s2], $0x80, v3, vm0, $0xb8;
	[tilespmem:$0x18080] =	vst v63  }
0x42: {  	v3 =	vld [tilespmem:$0x18010];
	_ =	sdelay $0x4  }
0x43: {  	v57 =	vshrl.u32 v3, $0x3  }
0x44: {  	v4 =	vmul.u32 $0x30, v57  }
0x45: {  	v3 =	vand.u32 $0x7, v3  }
0x46: {  	v3 =	vor.u32 v3, v4  }
0x47: {  	v4 =	vperm.xlane v3, v0;
	_ =	sdelay $0x1  }
0x48: {  	v4 =	vadd.s32 v1, v4;
	_ =	sdelay $0x3  }
0x49: {  	s0 =	rddreg [dreg:$0xa];
	v3 =	vperm.xlane v3, v2  }
0x4a: {  	[tilespmem:s0], [sflag:$0x1] =	stream.indirect_vreg.gather [hbm4b:s3+s2], $0x80, v4, vm0, $0xb8;
	[tilespmem:$0x18080] =	vst v63  }
0x4b: {  	s8 =	rddreg [dreg:$0xb];
	v3 =	vadd.s32 v1, v3  }
0x4c: {  	[tilespmem:s8], [sflag:$0x1] =	stream.indirect_vreg.gather [hbm4b:s4+s2], $0x80, v4, vm0, $0xb8;
	[tilespmem:$0x18080] =	vst v63  }
0x4d: {  	s0 =	rddreg [dreg:$0xc]  }
0x4e: {  	[tilespmem:s0], [sflag:$0x1] =	stream.indirect_vreg.gather [hbm4b:s5+s2], $0x80, v4, vm0, $0xb8;
	[tilespmem:$0x18080] =	vst v63  }
0x4f: {  	s8 =	rddreg [dreg:$0xd]  }
0x50: {  	[tilespmem:s8], [sflag:$0x1] =	stream.indirect_vreg.gather [hbm4b:s3+s2], $0x80, v3, vm0, $0xb8;
	[tilespmem:$0x18080] =	vst v63  }
0x51: {  	s0 =	rddreg [dreg:$0xe]  }
0x52: {  	[tilespmem:s0], [sflag:$0x1] =	stream.indirect_vreg.gather [hbm4b:s4+s2], $0x80, v3, vm0, $0xb8;
	[tilespmem:$0x18080] =	vst v63  }
0x53: {  	s8 =	rddreg [dreg:$0xf]  }
0x54: {  	[tilespmem:s8], [sflag:$0x1] =	stream.indirect_vreg.gather [hbm4b:s5+s2], $0x80, v3, vm0, $0xb8;
	[tilespmem:$0x18080] =	vst v63  }
0x55: {  	v3 =	vld [tilespmem:$0x18020];
	_ =	sdelay $0x4  }
0x56: {  	v58 =	vshrl.u32 v3, $0x3  }
0x57: {  	v4 =	vmul.u32 $0x30, v58  }
0x58: {  	v3 =	vand.u32 $0x7, v3  }
0x59: {  	v3 =	vor.u32 v3, v4  }
0x5a: {  	v4 =	vperm.xlane v3, v0;
	_ =	sdelay $0x1  }
0x5b: {  	v4 =	vadd.s32 v1, v4;
	_ =	sdelay $0x3  }
0x5c: {  	s0 =	rddreg [dreg:$0x10];
	v3 =	vperm.xlane v3, v2  }
0x5d: {  	[tilespmem:s0], [sflag:$0x1] =	stream.indirect_vreg.gather [hbm4b:s3+s2], $0x80, v4, vm0, $0xb8;
	[tilespmem:$0x18080] =	vst v63  }
0x5e: {  	s8 =	rddreg [dreg:$0x11];
	v3 =	vadd.s32 v1, v3  }
0x5f: {  	[tilespmem:s8], [sflag:$0x1] =	stream.indirect_vreg.gather [hbm4b:s4+s2], $0x80, v4, vm0, $0xb8;
	[tilespmem:$0x18080] =	vst v63  }
0x60: {  	s0 =	rddreg [dreg:$0x12]  }
0x61: {  	[tilespmem:s0], [sflag:$0x1] =	stream.indirect_vreg.gather [hbm4b:s5+s2], $0x80, v4, vm0, $0xb8;
	[tilespmem:$0x18080] =	vst v63  }
0x62: {  	s8 =	rddreg [dreg:$0x13]  }
0x63: {  	[tilespmem:s8], [sflag:$0x1] =	stream.indirect_vreg.gather [hbm4b:s3+s2], $0x80, v3, vm0, $0xb8;
	[tilespmem:$0x18080] =	vst v63  }
0x64: {  	s0 =	rddreg [dreg:$0x14]  }
0x65: {  	[tilespmem:s0], [sflag:$0x1] =	stream.indirect_vreg.gather [hbm4b:s4+s2], $0x80, v3, vm0, $0xb8;
	[tilespmem:$0x18080] =	vst v63  }
0x66: {  	s8 =	rddreg [dreg:$0x15]  }
0x67: {  	[tilespmem:s8], [sflag:$0x1] =	stream.indirect_vreg.gather [hbm4b:s5+s2], $0x80, v3, vm0, $0xb8;
	[tilespmem:$0x18080] =	vst v63  }
0x68: {  	v3 =	vld [tilespmem:$0x18030];
	_ =	sdelay $0x4  }
0x69: {  	v59 =	vshrl.u32 v3, $0x3  }
0x6a: {  	v4 =	vmul.u32 $0x30, v59  }
0x6b: {  	v3 =	vand.u32 $0x7, v3  }
0x6c: {  	v3 =	vor.u32 v3, v4  }
0x6d: {  	v4 =	vperm.xlane v3, v0;
	_ =	sdelay $0x1  }
0x6e: {  	v4 =	vadd.s32 v1, v4;
	_ =	sdelay $0x3  }
0x6f: {  	s0 =	rddreg [dreg:$0x16];
	v3 =	vperm.xlane v3, v2  }
0x70: {  	[tilespmem:s0], [sflag:$0x1] =	stream.indirect_vreg.gather [hbm4b:s3+s2], $0x80, v4, vm0, $0xb8;
	[tilespmem:$0x18080] =	vst v63  }
0x71: {  	s8 =	rddreg [dreg:$0x17];
	v3 =	vadd.s32 v1, v3  }
0x72: {  	[tilespmem:s8], [sflag:$0x1] =	stream.indirect_vreg.gather [hbm4b:s4+s2], $0x80, v4, vm0, $0xb8;
	[tilespmem:$0x18080] =	vst v63  }
0x73: {  	s0 =	rddreg [dreg:$0x18]  }
0x74: {  	[tilespmem:s0], [sflag:$0x1] =	stream.indirect_vreg.gather [hbm4b:s5+s2], $0x80, v4, vm0, $0xb8;
	[tilespmem:$0x18080] =	vst v63  }
0x75: {  	s8 =	rddreg [dreg:$0x19]  }
0x76: {  	[tilespmem:s8], [sflag:$0x1] =	stream.indirect_vreg.gather [hbm4b:s3+s2], $0x80, v3, vm0, $0xb8;
	[tilespmem:$0x18080] =	vst v63  }
0x77: {  	s0 =	rddreg [dreg:$0x1a]  }
0x78: {  	[tilespmem:s0], [sflag:$0x1] =	stream.indirect_vreg.gather [hbm4b:s4+s2], $0x80, v3, vm0, $0xb8;
	[tilespmem:$0x18080] =	vst v63  }
0x79: {  	s8 =	rddreg [dreg:$0x1b]  }
0x7a: {  	[tilespmem:s8], [sflag:$0x1] =	stream.indirect_vreg.gather [hbm4b:s5+s2], $0x80, v3, vm0, $0xb8;
	[tilespmem:$0x18080] =	vst v63  }
0x7b: {  	v3 =	vld [tilespmem:$0x18040];
	_ =	sdelay $0x4  }
0x7c: {  	v60 =	vshrl.u32 v3, $0x3  }
0x7d: {  	v4 =	vmul.u32 $0x30, v60  }
0x7e: {  	v3 =	vand.u32 $0x7, v3  }
0x7f: {  	v3 =	vor.u32 v3, v4  }
0x80: {  	v4 =	vperm.xlane v3, v0;
	_ =	sdelay $0x1  }
0x81: {  	v4 =	vadd.s32 v1, v4;
	_ =	sdelay $0x3  }
0x82: {  	s8 =	rddreg [dreg:$0x1c];
	v3 =	vperm.xlane v3, v2  }
0x83: {  	[tilespmem:s8], [sflag:$0x1] =	stream.indirect_vreg.gather [hbm4b:s3+s2], $0x80, v4, vm0, $0xb8;
	[tilespmem:$0x18080] =	vst v63  }
0x84: {  	v3 =	vadd.s32 v1, v3;
	s8 =	simm.s32 $0xC800  }
0x85: {  	[tilespmem:s8], [sflag:$0x1] =	stream.indirect_vreg.gather [hbm4b:s4+s2], $0x80, v4, vm0, $0xb8;
	[tilespmem:$0x18080] =	vst v63  }
0x86: {  	_ = 	snop  }
0x87: {  	[tilespmem:s9], [sflag:$0x1] =	stream.indirect_vreg.gather [hbm4b:s5+s2], $0x80, v4, vm0, $0xb8;
	[tilespmem:$0x18080] =	vst v63  }
0x88: {  	_ = 	snop  }
0x89: {  	[tilespmem:s10], [sflag:$0x1] =	stream.indirect_vreg.gather [hbm4b:s3+s2], $0x80, v3, vm0, $0xb8;
	[tilespmem:$0x18080] =	vst v63  }
0x8a: {  	_ = 	snop  }
0x8b: {  	[tilespmem:s11], [sflag:$0x1] =	stream.indirect_vreg.gather [hbm4b:s4+s2], $0x80, v3, vm0, $0xb8;
	[tilespmem:$0x18080] =	vst v63  }
0x8c: {  	_ = 	snop  }
0x8d: {  	[tilespmem:s12], [sflag:$0x1] =	stream.indirect_vreg.gather [hbm4b:s5+s2], $0x80, v3, vm0, $0xb8;
	[tilespmem:$0x18080] =	vst v63  }
0x8e: {  	v3 =	vld [tilespmem:$0x18050];
	_ =	sdelay $0x4  }
0x8f: {  	v61 =	vshrl.u32 v3, $0x3  }
0x90: {  	v4 =	vmul.u32 $0x30, v61  }
0x91: {  	v3 =	vand.u32 $0x7, v3  }
0x92: {  	v3 =	vor.u32 v3, v4  }
0x93: {  	v4 =	vperm.xlane v3, v0;
	_ =	sdelay $0x1  }
0x94: {  	v4 =	vadd.s32 v1, v4;
	_ =	sdelay $0x3  }
0x95: {  	v3 =	vperm.xlane v3, v2  }
0x96: {  	[tilespmem:s13], [sflag:$0x1] =	stream.indirect_vreg.gather [hbm4b:s3+s2], $0x80, v4, vm0, $0xb8;
	[tilespmem:$0x18080] =	vst v63  }
0x97: {  	v3 =	vadd.s32 v1, v3  }
0x98: {  	[tilespmem:s14], [sflag:$0x1] =	stream.indirect_vreg.gather [hbm4b:s4+s2], $0x80, v4, vm0, $0xb8;
	[tilespmem:$0x18080] =	vst v63  }
0x99: {  	_ = 	snop  }
0x9a: {  	[tilespmem:s15], [sflag:$0x1] =	stream.indirect_vreg.gather [hbm4b:s5+s2], $0x80, v4, vm0, $0xb8;
	[tilespmem:$0x18080] =	vst v63  }
0x9b: {  	_ = 	snop  }
0x9c: {  	[tilespmem:s16], [sflag:$0x1] =	stream.indirect_vreg.gather [hbm4b:s3+s2], $0x80, v3, vm0, $0xb8;
	[tilespmem:$0x18080] =	vst v63  }
0x9d: {  	_ = 	snop  }
0x9e: {  	[tilespmem:s17], [sflag:$0x1] =	stream.indirect_vreg.gather [hbm4b:s4+s2], $0x80, v3, vm0, $0xb8;
	[tilespmem:$0x18080] =	vst v63  }
0x9f: {  	_ = 	snop  }
0xa0: {  	[tilespmem:s18], [sflag:$0x1] =	stream.indirect_vreg.gather [hbm4b:s5+s2], $0x80, v3, vm0, $0xb8;
	[tilespmem:$0x18080] =	vst v63  }
0xa1: {  	v3 =	vld [tilespmem:$0x18060];
	_ =	sdelay $0x4  }
0xa2: {  	v62 =	vshrl.u32 v3, $0x3  }
0xa3: {  	v4 =	vmul.u32 $0x30, v62  }
0xa4: {  	v3 =	vand.u32 $0x7, v3  }
0xa5: {  	v3 =	vor.u32 v3, v4  }
0xa6: {  	v4 =	vperm.xlane v3, v0;
	_ =	sdelay $0x1  }
0xa7: {  	v4 =	vadd.s32 v1, v4;
	_ =	sdelay $0x3  }
0xa8: {  	v3 =	vperm.xlane v3, v2  }
0xa9: {  	[tilespmem:s19], [sflag:$0x1] =	stream.indirect_vreg.gather [hbm4b:s3+s2], $0x80, v4, vm0, $0xb8;
	[tilespmem:$0x18080] =	vst v63  }
0xaa: {  	v3 =	vadd.s32 v1, v3  }
0xab: {  	[tilespmem:s20], [sflag:$0x1] =	stream.indirect_vreg.gather [hbm4b:s4+s2], $0x80, v4, vm0, $0xb8;
	[tilespmem:$0x18080] =	vst v63  }
0xac: {  	_ = 	snop  }
0xad: {  	[tilespmem:s21], [sflag:$0x1] =	stream.indirect_vreg.gather [hbm4b:s5+s2], $0x80, v4, vm0, $0xb8;
	[tilespmem:$0x18080] =	vst v63  }
0xae: {  	_ = 	snop  }
0xaf: {  	[tilespmem:s22], [sflag:$0x1] =	stream.indirect_vreg.gather [hbm4b:s3+s2], $0x80, v3, vm0, $0xb8;
	[tilespmem:$0x18080] =	vst v63  }
0xb0: {  	_ = 	snop  }
0xb1: {  	[tilespmem:s23], [sflag:$0x1] =	stream.indirect_vreg.gather [hbm4b:s4+s2], $0x80, v3, vm0, $0xb8;
	[tilespmem:$0x18080] =	vst v63  }
0xb2: {  	_ = 	snop  }
0xb3: {  	[tilespmem:s24], [sflag:$0x1] =	stream.indirect_vreg.gather [hbm4b:s5+s2], $0x80, v3, vm0, $0xb8;
	[tilespmem:$0x18080] =	vst v63  }
0xb4: {  	v3 =	vld [tilespmem:$0x18070];
	_ =	sdelay $0x4  }
0xb5: {  	v63 =	vshrl.u32 v3, $0x3  }
0xb6: {  	v4 =	vmul.u32 $0x30, v63  }
0xb7: {  	v3 =	vand.u32 $0x7, v3  }
0xb8: {  	v3 =	vor.u32 v3, v4  }
0xb9: {  	v4 =	vperm.xlane v3, v0;
	_ =	sdelay $0x1  }
0xba: {  	v4 =	vadd.s32 v1, v4;
	_ =	sdelay $0x3  }
0xbb: {  	v3 =	vperm.xlane v3, v2  }
0xbc: {  	[tilespmem:s25], [sflag:$0x1] =	stream.indirect_vreg.gather [hbm4b:s3+s2], $0x80, v4, vm0, $0xb8;
	[tilespmem:$0x18080] =	vst v63  }
0xbd: {  	v3 =	vadd.s32 v1, v3  }
0xbe: {  	[tilespmem:s26], [sflag:$0x1] =	stream.indirect_vreg.gather [hbm4b:s4+s2], $0x80, v4, vm0, $0xb8;
	[tilespmem:$0x18080] =	vst v63  }
0xbf: {  	_ = 	snop  }
0xc0: {  	[tilespmem:s28], [sflag:$0x1] =	stream.indirect_vreg.gather [hbm4b:s5+s2], $0x80, v4, vm0, $0xb8;
	[tilespmem:$0x18080] =	vst v63  }
0xc1: {  	_ = 	snop  }
0xc2: {  	[tilespmem:s29], [sflag:$0x1] =	stream.indirect_vreg.gather [hbm4b:s3+s2], $0x80, v3, vm0, $0xb8;
	[tilespmem:$0x18080] =	vst v63  }
0xc3: {  	_ = 	snop  }
0xc4: {  	[tilespmem:s30], [sflag:$0x1] =	stream.indirect_vreg.gather [hbm4b:s4+s2], $0x80, v3, vm0, $0xb8;
	[tilespmem:$0x18080] =	vst v63  }
0xc5: {  	_ = 	snop  }
0xc6: {  	[tilespmem:s31], [sflag:$0x1] =	stream.indirect_vreg.gather [hbm4b:s5+s2], $0x80, v3, vm0, $0xb8;
	[tilespmem:$0x18080] =	vst v63  }
0xc7: {  	_ =	swait.ge [sflag:s1], $0x18000  }
0xc8: {  	p0 =	sne.s32 s6, $0x1;
	[sflag:s1] =	ssyncset.done $0x0  }
.Ltmp0:
0xc9: {  	s8 =	rddreg [dreg:$0x3];
	[sflag:s1] =	ssyncadd.s32 $0xFFFE8000;
	(pc) =	sbr.rel @p0 .LBB2_1-.Ltmp0, $4  }
0xca: {  	[hbm4b:s8+s2] =	stream.linear.scatter [tilespmem:s2], [sflag:$0x2], $0x18000, $0x38;
	[tilespmem:$0x18080] =	vst v63  }
0xcb: {  	_ =	swait.ge [sflag:s7], $0x18000  }
0xcc: {  	[sflag:s7] =	ssyncset.done $0x0  }
0xcd: {  	s6 =	sadd.s32 $0xFFFFFFFF, s6;
	[sflag:s7] =	ssyncadd.s32 $0xFFFE8000  }
0xce: {  	_ =	sfence.sel $0x180000  }
0xcf: {  	[bflag:$0x0] =	sbarrier.arrive $0xFFFF  }
0xd0: {  	_ =	strace $0x9000004A  }
0xd1: {  	s0 =	stileid.u32;
	[bflag:$0x2] =	sbarrier.arrive $0xFFFF  }
0xd2: {  	p0 =	sne.s32 s0, $0x0;
	s0 =	rddreg [dreg:$0x1]  }
0xd3: {  	s0 =	sadd.s32 @!p0 $0x100000, s0  }
0xd4: {  	[sflag:s0] =	ssyncadd.tile.s32 @!p0 $0x1;
	_ =	shalt  }
.Lfunc_end2:
_tile_overlayer_lowered:
.L_overlay_start_2:
0xd5: {  	(tag) =	ssettag $0x2  }
0xd6: {  	s0 =	rddreg [dreg:$0x0];
	s2 =	stileid.u32  }
0xd7: {  	s1 =	rddreg [dreg:$0x1];
	p0 =	sne.s32 s2, $0x0  }
0xd8: {  	s3 =	rddreg [dreg:$0x2];
	[bflag:$0x3] =	sbarrier.arrive $0xFFFF;
	s2 =	simm.s32 @!p0 $0x1C02  }
0xd9: {  	[timem:s3], [sflag:s2] =	dma.local @!p0 [hbm:s0], s1  }
0xda: {  	s0 =	simm.s32 @!p0 $0x2  }
0xdb: {  	_ =	swait.ge @!p0 [sflag:s0], s1  }
0xdc: {  	s1 =	ssub.s32 @!p0 $0x0, s1;
	[sflag:s0] =	ssyncset.done @!p0 $0x0  }
0xdd: {  	[sflag:s0] =	ssyncadd.s32 @!p0 s1  }
0xde: {  	[bflag:$0x3] =	sbarrier.arrive $0xFFFF  }
0xdf: {  	_ =	shalt  }

// kernel: kernel.8.cloned.1.call-start
scs
__scs_entry_jumppad:
0x0: {  	(pc) =	sbr.rel $0x88, $3  }
0x1: {  	(tag) =	ssettag $0x0;
	lr =	simm.s32 $0x1  }
0x2: {  	[smem:$0x3F8A] =	sst lr;
	_ =	strace $0xD0000000  }
0x3: {  	_ = 	snop  }
0x4: {  	_ = 	snop  }
0x5: {  	_ = 	snop  }
0x6: {  	_ = 	snop  }
0x7: {  	_ = 	snop  }
__scs_overlays_trampoline_lowered:
0x8: {  	[smem:$0x3F99] =	sst s0  }
0x9: {  	[smem:$0x3F9A] =	sst s1  }
0xa: {  	[smem:$0x3F9B] =	sst s2  }
0xb: {  	[smem:$0x3F9C] =	sst s3  }
0xc: {  	[smem:$0x3F9D] =	sst s4  }
0xd: {  	[smem:$0x3F9E] =	sst s5  }
0xe: {  	[smem:$0x3F9F] =	sst s6  }
0xf: {  	[smem:$0x3FA0] =	sst s7  }
0x10: {  	[smem:$0x3FA1] =	sst s8  }
0x11: {  	[smem:$0x3FA2] =	sst s9;
	s0 =	simm.s32 @!p0 $0x0  }
0x12: {  	s1 =	sld [smem:$0x3F88];
	s0 =	simm.s32 @p0 $0x1  }
0x13: {  	[smem:$0x3FA3] =	sst s0;
	s0 =	simm.s32 @!p1 $0x0  }
0x14: {  	s2 =	sld [smem:$0x3F87];
	s0 =	simm.s32 @p1 $0x1  }
0x15: {  	[smem:$0x3FA4] =	sst s0;
	s0 =	simm.s32 @!p2 $0x0  }
0x16: {  	s3 =	sld [smem:$0x3FDB];
	s0 =	simm.s32 @p2 $0x1  }
0x17: {  	s4 =	simm.s32 $0x1BF5;
	[smem:$0x3FA6] =	sst s0  }
0x18: {  	s0 =	sld [smem:$0x3F89];
	_ =	swait.ge [sflag:s4], $0x0  }
0x19: {  	s7 =	sld [smem:$0x3F8A]  }
0x1a: {  	s8 =	sadd.s32 $0xFFFFE003, lr  }
0x1b: {  	s9 =	sadd.s32 $0xFFFFFEF7, lr;
	s5 =	simm.s32 $0xFFFFFFFF;
	p2 =	slt.u32 s8, $0xFFFFF086  }
0x1c: {  	p1 =	slt.u32 s9, $0xF7A;
	s5 =	simm.s32 @!p2 $0x0  }
0x1d: {  	s5 =	simm.s32 @p1 $0x1;
	p0 =	seq.s32 s7, s2  }
0x1e: {  	s7 =	smul.u32 @!p0 $0xF7A, s2;
	p2 =	seq.s32 @!p0 s5, $0x0  }
0x1f: {  	s9 =	smul.u32 $0xF7A, s1;
	s8 =	simm.s32 @!p0 $0x1BF5;
	p2 =	por !p2, p0  }
0x20: {  	[sflag:s8] =	ssyncset.s32 @!p0 $0xFFFFF086;
	s6 =	sadd.s32 @!p0 s3, s7;
	s7 =	simm.s32 @!p0 $0x108  }
0x21: {  	s3 =	sadd.s32 s3, s9;
	s6 =	sadd.s32 @!p0 $0x88, s6;
	s7 =	simm.s32 @p2 $0x1082  }
0x22: {  	[simem:s7], [sflag:s8] =	dma.local @!p0 [hbm:s6], $0xF7A  }
0x23: {  	s9 =	sor.u32 $0xD0000000, s2;
	s6 =	simm.s32 $0x108;
	_ =	swait.ge @!p0 [sflag:s8], $0x0  }
0x24: {  	s3 =	sadd.s32 $0x88, s3;
	s6 =	simm.s32 @!p1 $0x1082;
	[sflag:s4] =	ssyncset.s32 $0xFFFFF086  }
0x25: {  	[simem:s6], [sflag:s4] =	dma.local [hbm:s3], $0xF7A  }
0x26: {  	[smem:$0x3F8A] =	sst s1;
	(tag) =	ssettag s2;
	_ =	strace s9  }
0x27: {  	s1 =	sld [smem:$0x3F9A]  }
0x28: {  	s2 =	sld [smem:$0x3F9B]  }
0x29: {  	s4 =	sld [smem:$0x3F9D]  }
0x2a: {  	p0 =	seq.s32 s5, $0x0;
	s5 =	sld [smem:$0x3F9E]  }
0x2b: {  	s6 =	sld [smem:$0x3F9F]  }
0x2c: {  	s7 =	sld [smem:$0x3FA0]  }
0x2d: {  	s3 =	simm.s32 $0x108;
	s8 =	sld [smem:$0x3FA1]  }
0x2e: {  	s3 =	simm.s32 @!p0 $0x1082;
	s9 =	sld [smem:$0x3FA2]  }
0x2f: {  	lr =	sadd.s32 s0, s3;
	s0 =	sld [smem:$0x3F99]  }
0x30: {  	s3 =	sld [smem:$0x3F9C]  }
0x31: {  	[smem:$0x3FA5] =	sst s10  }
0x32: {  	s10 =	sld [smem:$0x3FA3];
	_ =	sdelay $0x3  }
0x33: {  	p0 =	seq.s32 s10, $0x1;
	s10 =	sld [smem:$0x3FA5];
	_ =	sdelay $0x3  }
0x34: {  	[smem:$0x3FA5] =	sst s10  }
0x35: {  	s10 =	sld [smem:$0x3FA4];
	_ =	sdelay $0x3  }
0x36: {  	p1 =	seq.s32 s10, $0x1;
	s10 =	sld [smem:$0x3FA5];
	_ =	sdelay $0x3  }
0x37: {  	[smem:$0x3FA5] =	sst s10  }
0x38: {  	s10 =	sld [smem:$0x3FA6]  }
0x39: {  	_ = 	snop;
	(pc) =	sbr.ind lr, $3  }
0x3a: {  	_ = 	snop  }
0x3b: {  	_ = 	snop  }
0x3c: {  	p2 =	seq.s32 s10, $0x1;
	s10 =	sld [smem:$0x3FA5]  }
0x3d: {  	_ =	shalt  }
0x3e: {  	_ =	shalt  }
0x3f: {  	_ =	shalt  }
0x40: {  	_ =	shalt  }
0x41: {  	_ =	shalt  }
0x42: {  	_ =	shalt  }
0x43: {  	_ =	shalt  }
0x44: {  	_ =	shalt  }
0x45: {  	_ =	shalt  }
0x46: {  	_ =	shalt  }
0x47: {  	_ =	shalt  }
0x48: {  	_ =	shalt  }
0x49: {  	_ =	shalt  }
0x4a: {  	_ =	shalt  }
0x4b: {  	_ =	shalt  }
0x4c: {  	_ =	shalt  }
0x4d: {  	_ =	shalt  }
0x4e: {  	_ =	shalt  }
0x4f: {  	_ =	shalt  }
0x50: {  	_ =	shalt  }
0x51: {  	_ =	shalt  }
0x52: {  	_ =	shalt  }
0x53: {  	_ =	shalt  }
0x54: {  	_ =	shalt  }
0x55: {  	_ =	shalt  }
0x56: {  	_ =	shalt  }
0x57: {  	_ =	shalt  }
0x58: {  	_ =	shalt  }
0x59: {  	_ =	shalt  }
0x5a: {  	_ =	shalt  }
0x5b: {  	_ =	shalt  }
0x5c: {  	_ =	shalt  }
0x5d: {  	_ =	shalt  }
0x5e: {  	_ =	shalt  }
0x5f: {  	_ =	shalt  }
0x60: {  	_ =	shalt  }
0x61: {  	_ =	shalt  }
0x62: {  	_ =	shalt  }
0x63: {  	_ =	shalt  }
0x64: {  	_ =	shalt  }
0x65: {  	_ =	shalt  }
0x66: {  	_ =	shalt  }
0x67: {  	_ =	shalt  }
0x68: {  	_ =	shalt  }
0x69: {  	_ =	shalt  }
0x6a: {  	_ =	shalt  }
0x6b: {  	_ =	shalt  }
0x6c: {  	_ =	shalt  }
0x6d: {  	_ =	shalt  }
0x6e: {  	_ =	shalt  }
0x6f: {  	_ =	shalt  }
0x70: {  	_ =	shalt  }
0x71: {  	_ =	shalt  }
0x72: {  	_ =	shalt  }
0x73: {  	_ =	shalt  }
0x74: {  	_ =	shalt  }
0x75: {  	_ =	shalt  }
0x76: {  	_ =	shalt  }
0x77: {  	_ =	shalt  }
0x78: {  	_ =	shalt  }
0x79: {  	_ =	shalt  }
0x7a: {  	_ =	shalt  }
0x7b: {  	_ =	shalt  }
0x7c: {  	_ =	shalt  }
0x7d: {  	_ =	shalt  }
0x7e: {  	_ =	shalt  }
0x7f: {  	_ =	shalt  }
0x80: {  	_ =	shalt  }
0x81: {  	_ =	shalt  }
0x82: {  	_ =	shalt  }
0x83: {  	_ =	shalt  }
0x84: {  	_ =	shalt  }
0x85: {  	_ =	shalt  }
0x86: {  	_ =	shalt  }
0x87: {  	_ =	shalt  }
.Lfunc_end0:
.L_simem_size_0:
called_computation_lowered:
.L_overlay_start_0:
0x88: {  	s2 =	sld [smem:$0x3FD9]  }
0x89: {  	s3 =	sld [smem:$0x3FFE];
	_ =	sdelay $0x1  }
0x8a: {  	s1 =	srdreg.scid  }
0x8b: {  	s0 =	sand.u32 $0x1, s1  }
0x8c: {  	s17 =	sshll.u32 s0, $0xA;
	s2 =	sadd.s32 s3, s2  }
0x8d: {  	s2 =	sadd.s32 s2, s17  }
0x8e: {  	[smem:$0x3FB1] =	sst s2  }
0x8f: {  	_ = 	snop  }
0x90: {  	s2 =	sld [smem:$0x3FD0];
	(tm) =	ssettm $0x1  }
0x91: {  	s18 =	sld [smem:$0x3FFB];
	_ =	sdelay $0x3  }
0x92: {  	_ =	strace s18  }
0x93: {  	s3 =	sld [smem:$0x3FFC];
	_ =	sdelay $0x3  }
0x94: {  	_ =	strace s3  }
0x95: {  	s3 =	sld [smem:$0x3FFD];
	_ =	sdelay $0x3  }
0x96: {  	_ =	strace s3  }
0x97: {  	_ =	strace $0x8FFFFFFF  }
0x98: {  	s19 =	sld [smem:$0x3FDB];
	_ =	sdelay $0x1  }
0x99: {  	s4 =	simm.s32 $_scs_section_size  }
0x9a: {  	s5 =	simm.s32 $_size__tile_overlayer_lowered;
	s6 =	simm.s32 $_tile_overlayer_lowered  }
0x9b: {  	s22 =	simm.s32 $0x1BFF;
	s21 =	sshll.u32 s6, $0x1;
	s3 =	sadd.s32 s4, s19  }
0x9c: {  	s7 =	simm.s32 $0x0;
	s20 =	sshll.u32 s5, $0x1;
	s5 =	sadd.s32 s21, s3  }
0x9d: {  	[timem:s7], [sflag:s22] =	dma.local [hbm:s5], s20  }
0x9e: {  	_ =	swait.ge [sflag:s22], s20  }
0x9f: {  	s4 =	ssub.s32 $0x0, s20;
	[sflag:s22] =	ssyncset.done $0x0  }
0xa0: {  	[sflag:s22] =	ssyncadd.s32 s4;
	_ =	sdelay $0x1  }
0xa1: {  	s23 =	simm.s32 $0x1B8B  }
0xa2: {  	_ =	swait.ge [sflag:s23], $0x1  }
0xa3: {  	[sflag:s23] =	ssyncset.done $0x0  }
0xa4: {  	s25 =	simm.s32 $0x1B8E;
	s24 =	sld [smem:$0x3FFE];
	[sflag:s23] =	ssyncadd.s32 $0xFFFFFFFF  }
0xa5: {  	s26 =	simm.s32 $execute0_lowered;
	[smem:$0x3FD2] =	sst s25  }
0xa6: {  	s5 =	sshll.u32 s26, $0x1;
	_ =	strace $0x80000046;
	[dreg:$0x1] =	wrdreg $0xFFFFFFFF  }
0xa7: {  	s28 =	simm.s32 $_size_execute0_lowered;
	s3 =	sadd.s32 s3, s5;
	[dreg:$0x0] =	wrdreg $0x0  }
0xa8: {  	s5 =	sshll.u32 s28, $0x1;
	[dreg:$0x2] =	wrdreg s3  }
0xa9: {  	[dreg:$0x3] =	wrdreg s5  }
0xaa: {  	[dreg:$0x4] =	wrdreg $0xC0  }
0xab: {  	_ =	task [dreg:s7], $0x5FFFF  }
0xac: {  	[dreg:$0x1] =	wrdreg $0xFFFFFFFF  }
0xad: {  	[dreg:$0x0] =	wrdreg $0x60  }
0xae: {  	[dreg:$0x2] =	wrdreg s2  }
0xaf: {  	[dreg:$0x3] =	wrdreg s24  }
0xb0: {  	[dreg:$0x4] =	wrdreg $0x9  }
0xb1: {  	_ =	task.clear_ibuf [dreg:s7], $0x5FFFF;
	_ =	strace $0x90000046  }
0xb2: {  	s29 =	simm.s32 $0x9;
	_ =	strace $0x80000048  }
0xb3: {  	_ =	swait.ge [sflag:s29], $0x1  }
0xb4: {  	[sflag:s29] =	ssyncadd.s32 $0xFFFFFFFF  }
0xb5: {  	_ =	strace $0x90000048  }
0xb6: {  	_ =	sfence  }
0xb7: {  	s30 =	sld [smem:$0x0];
	_ =	sdelay $0x2  }
0xb8: {  	s31 =	sshll.u32 s1, $0xD;
	s1 =	sshrl.u32 s1, $0x2  }
0xb9: {  	s3 =	sand.u32 $0x4000, s31;
	s1 =	sadd.s32 s1, s30  }
0xba: {  	s0 =	sor.u32 s3, s0;
	s1 =	sshll.u32 s1, $0x11  }
0xbb: {  	s0 =	sor.u32 s1, s0  }
0xbc: {  	s0 =	sadd.s32 $0x8F2B, s0  }
0xbd: {  	[sflag:s0] =	ssyncadd.remote.s32 $0x1  }
0xbe: {  	_ =	sfence.sel $0xFFFF  }
0xbf: {  	[dreg:$0x0] =	wrdreg $0xFFFFFFFF;
	(pc) =	sbr.abs _section_cstart, $3  }
0xc0: {  	[dreg:$0x1] =	wrdreg $0xFFFFFFFF  }
0xc1: {  	_ =	task.clear_ibuf [dreg:s7], $0x2FFFF;
	_ =	strace $0x9FFFFFFF  }
0xc2: {  	(tm) =	ssettm $0x7FFFFFFF  }
0xc3: {  	_ =	shalt  }
tec
execute0_lowered:
.L_overlay_start_1:
0x0: {  	(tag) =	ssettag $0x1  }
0x1: {  	s3 =	rddreg [dreg:$0x0];
	s2 =	srdreg.scid  }
0x2: {  	s1 =	rddreg [dreg:$0x1];
	s5 =	sand.u32 $0x1, s2;
	s2 =	simm.s32 $0x0  }
0x3: {  	s0 =	stileid.u32;
	s24 =	simm.s32 $0x18000;
	[smem:$0x7FF] =	sst s2  }
0x4: {  	s25 =	simm.s32 $0x800;
	_ =	strace $0x80000047;
	[dreg:$0x5] =	wrdreg s24  }
0x5: {  	s26 =	simm.s32 $0x1000;
	s4 =	sshll.u32 s0, $0x1;
	[dreg:$0x6] =	wrdreg s25  }
0x6: {  	s22 =	sshll.u32 s0, $0x5;
	s0 =	simm.s32 $0x1800;
	[dreg:$0x7] =	wrdreg s26  }
0x7: {  	s8 =	simm.s32 $0x3800;
	[dreg:$0x8] =	wrdreg s0  }
0x8: {  	s9 =	simm.s32 $0x4000;
	[dreg:$0xc] =	wrdreg s8  }
0x9: {  	s10 =	simm.s32 $0x4800;
	[dreg:$0xd] =	wrdreg s9  }
0xa: {  	s11 =	simm.s32 $0x5000;
	[dreg:$0xe] =	wrdreg s10  }
0xb: {  	s12 =	simm.s32 $0x5800;
	[dreg:$0xf] =	wrdreg s11  }
0xc: {  	s13 =	simm.s32 $0x6000;
	s14 =	simm.s32 $0x6800;
	[dreg:$0x10] =	wrdreg s12  }
0xd: {  	s15 =	simm.s32 $0x7000;
	s16 =	simm.s32 $0x7800;
	[dreg:$0x11] =	wrdreg s13  }
0xe: {  	s17 =	simm.s32 $0x8000;
	s18 =	simm.s32 $0x8800;
	[dreg:$0x12] =	wrdreg s14  }
0xf: {  	s19 =	simm.s32 $0x9000;
	s20 =	simm.s32 $0x9800;
	[dreg:$0x13] =	wrdreg s15  }
0x10: {  	s28 =	simm.s32 $0x16000;
	s29 =	simm.s32 $0x16800;
	[dreg:$0x14] =	wrdreg s16  }
0x11: {  	s30 =	simm.s32 $0x17000;
	s31 =	simm.s32 $0x17800;
	[dreg:$0x15] =	wrdreg s17  }
0x12: {  	s21 =	sand.u32 $0xE, s4;
	s4 =	sand.u32 $0x100, s22;
	[dreg:$0x16] =	wrdreg s18  }
0x13: {  	s6 =	sor.u32 s5, s21;
	s4 =	sadd.s32 s4, s1;
	[dreg:$0x17] =	wrdreg s19  }
0x14: {  	s5 =	ssub.s32 $0x2, s5;
	[dreg:$0x18] =	wrdreg s20;
	s21 =	simm.s32 $0xA000  }
0x15: {  	s24 =	simm.s32 $0xB000;
	s25 =	simm.s32 $0xB800;
	s26 =	simm.s32 $0xC000  }
0x16: {  	s9 =	simm.s32 $0xD000;
	s10 =	simm.s32 $0xD800;
	s11 =	simm.s32 $0xE000  }
0x17: {  	s12 =	simm.s32 $0xE800;
	s13 =	simm.s32 $0xF000;
	s14 =	simm.s32 $0xF800  }
0x18: {  	s15 =	simm.s32 $0x10000;
	s16 =	simm.s32 $0x10800;
	s17 =	simm.s32 $0x11000  }
0x19: {  	s18 =	simm.s32 $0x11800;
	s19 =	simm.s32 $0x12000;
	[dreg:$0x19] =	wrdreg s21  }
0x1a: {  	s20 =	simm.s32 $0x12800;
	s7 =	smul.u32 $0x3000, s6;
	[dreg:$0x1b] =	wrdreg s24  }
0x1b: {  	s6 =	sshll.u32 s6, $0x4;
	s22 =	sshrl.u32 s5, $0x1;
	[dreg:$0x1c] =	wrdreg s25  }
0x1c: {  	[dreg:$0x1d] =	wrdreg s26;
	s21 =	simm.s32 $0x13000;
	s24 =	simm.s32 $0x14800  }
0x1d: {  	s25 =	simm.s32 $0x15000;
	s4 =	sadd.s32 s6, s4;
	s6 =	simm.s32 $0x2800  }
0x1e: {  	s26 =	simm.s32 $0x15800;
	s3 =	sadd.s32 s3, s7;
	[dreg:$0xa] =	wrdreg s6  }
0x1f: {  	s23 =	sadd.s32 $0x4200, s4;
	s4 =	simm.s32 $0x2000;
	[dreg:$0x3] =	wrdreg s3  }
0x20: {  	s7 =	simm.s32 $0x3000;
	s6 =	ssub.s32 s5, s22;
	[dreg:$0x4] =	wrdreg s23  }
0x21: {  	s5 =	sadd.s32 $0x3C600, s1;
	s22 =	simm.s32 $0x13800;
	[dreg:$0x9] =	wrdreg s4  }
0x22: {  	v2 =	vlaneseq.u32;
	[dreg:$0xb] =	wrdreg s7;
	s3 =	sadd.s32 $0x3C400, s1;
	s23 =	simm.s32 $0xA800  }
0x23: {  	vm0 =	vmmov $0xffff;
	v1 =	vshrl.u32 v2, $0x3;
	s4 =	sadd.s32 $0x3C500, s1;
	s6 =	smax.u32 s6, $0x1;
	s7 =	simm.s32 $0x2  }
0x24: {  	v0 =	vand.u32 $0x7, v2;
	v2 =	vor.u32 $0x8, v2;
	v1 =	vmul.u32 $0x8, v1;
	s1 =	simm.s32 $0x1;
	[dreg:$0x1a] =	wrdreg s23;
	s23 =	simm.s32 $0x14000  }
.LBB2_1:
0x25: {  	s0 =	rddreg [dreg:$0x3]  }
0x26: {  	[tilespmem:s2], [sflag:$0x2] =	stream.linear.gather [hbm4b:s0+s2], $0x18000, $0x38;
	[tilespmem:$0x18080] =	vst v63  }
0x27: {  	_ =	swait.ge [sflag:s7], $0x18000  }
0x28: {  	s0 =	rddreg [dreg:$0x4];
	[sflag:s7] =	ssyncset.done $0x0  }
0x29: {  	s8 =	rddreg [dreg:$0x5];
	[sflag:s7] =	ssyncadd.s32 $0xFFFE8000  }
0x2a: {  	[tilespmem:s8], [sflag:$0x2] =	stream.linear.gather [hbm4b:s0+s2], $0x80, $0x38;
	[tilespmem:$0x18080] =	vst v63  }
0x2b: {  	_ =	swait.ge [sflag:s7], $0x80  }
0x2c: {  	[sflag:s7] =	ssyncset.done $0x0  }
0x2d: {  	[sflag:s7] =	ssyncadd.s32 $0xFFFFFF80  }
0x2e: {  	v3 =	vld [tilespmem:$0x18000];
	_ =	sdelay $0x4  }
0x2f: {  	v4 =	vshrl.u32 v3, $0x3  }
0x30: {  	v4 =	vmul.u32 $0x30, v4  }
0x31: {  	v3 =	vand.u32 $0x7, v3  }
0x32: {  	v3 =	vor.u32 v3, v4  }
0x33: {  	v4 =	vperm.xlane v3, v0;
	_ =	sdelay $0x1  }
0x34: {  	v4 =	vadd.s32 v1, v4;
	_ =	sdelay $0x3  }
0x35: {  	v3 =	vperm.xlane v3, v2  }
0x36: {  	[hbm4b:s3+s2] =	stream.indirect_vreg.scatter [tilespmem:s2], [sflag:$0x1], $0x80, v4, vm0, $0xb8;
	[tilespmem:$0x18080] =	vst v63  }
0x37: {  	s0 =	rddreg [dreg:$0x6];
	v3 =	vadd.s32 v1, v3  }
0x38: {  	[hbm4b:s4+s2] =	stream.indirect_vreg.scatter [tilespmem:s0], [sflag:$0x1], $0x80, v4, vm0, $0xb8;
	[tilespmem:$0x18080] =	vst v63  }
0x39: {  	s8 =	rddreg [dreg:$0x7]  }
0x3a: {  	[hbm4b:s5+s2] =	stream.indirect_vreg.scatter [tilespmem:s8], [sflag:$0x1], $0x80, v4, vm0, $0xb8;
	[tilespmem:$0x18080] =	vst v63  }
0x3b: {  	s0 =	rddreg [dreg:$0x8]  }
0x3c: {  	[hbm4b:s3+s2] =	stream.indirect_vreg.scatter [tilespmem:s0], [sflag:$0x1], $0x80, v3, vm0, $0xb8;
	[tilespmem:$0x18080] =	vst v63  }
0x3d: {  	s8 =	rddreg [dreg:$0x9]  }
0x3e: {  	[hbm4b:s4+s2] =	stream.indirect_vreg.scatter [tilespmem:s8], [sflag:$0x1], $0x80, v3, vm0, $0xb8;
	[tilespmem:$0x18080] =	vst v63  }
0x3f: {  	s0 =	rddreg [dreg:$0xa]  }
0x40: {  	[hbm4b:s5+s2] =	stream.indirect_vreg.scatter [tilespmem:s0], [sflag:$0x1], $0x80, v3, vm0, $0xb8;
	[tilespmem:$0x18080] =	vst v63  }
0x41: {  	v3 =	vld [tilespmem:$0x18010];
	_ =	sdelay $0x4  }
0x42: {  	v57 =	vshrl.u32 v3, $0x3  }
0x43: {  	v4 =	vmul.u32 $0x30, v57  }
0x44: {  	v3 =	vand.u32 $0x7, v3  }
0x45: {  	v3 =	vor.u32 v3, v4  }
0x46: {  	v4 =	vperm.xlane v3, v0;
	_ =	sdelay $0x1  }
0x47: {  	v4 =	vadd.s32 v1, v4;
	_ =	sdelay $0x3  }
0x48: {  	s0 =	rddreg [dreg:$0xb];
	v3 =	vperm.xlane v3, v2  }
0x49: {  	[hbm4b:s3+s2] =	stream.indirect_vreg.scatter [tilespmem:s0], [sflag:$0x1], $0x80, v4, vm0, $0xb8;
	[tilespmem:$0x18080] =	vst v63  }
0x4a: {  	s8 =	rddreg [dreg:$0xc];
	v3 =	vadd.s32 v1, v3  }
0x4b: {  	[hbm4b:s4+s2] =	stream.indirect_vreg.scatter [tilespmem:s8], [sflag:$0x1], $0x80, v4, vm0, $0xb8;
	[tilespmem:$0x18080] =	vst v63  }
0x4c: {  	s0 =	rddreg [dreg:$0xd]  }
0x4d: {  	[hbm4b:s5+s2] =	stream.indirect_vreg.scatter [tilespmem:s0], [sflag:$0x1], $0x80, v4, vm0, $0xb8;
	[tilespmem:$0x18080] =	vst v63  }
0x4e: {  	s8 =	rddreg [dreg:$0xe]  }
0x4f: {  	[hbm4b:s3+s2] =	stream.indirect_vreg.scatter [tilespmem:s8], [sflag:$0x1], $0x80, v3, vm0, $0xb8;
	[tilespmem:$0x18080] =	vst v63  }
0x50: {  	s0 =	rddreg [dreg:$0xf]  }
0x51: {  	[hbm4b:s4+s2] =	stream.indirect_vreg.scatter [tilespmem:s0], [sflag:$0x1], $0x80, v3, vm0, $0xb8;
	[tilespmem:$0x18080] =	vst v63  }
0x52: {  	s8 =	rddreg [dreg:$0x10]  }
0x53: {  	[hbm4b:s5+s2] =	stream.indirect_vreg.scatter [tilespmem:s8], [sflag:$0x1], $0x80, v3, vm0, $0xb8;
	[tilespmem:$0x18080] =	vst v63  }
0x54: {  	v3 =	vld [tilespmem:$0x18020];
	_ =	sdelay $0x4  }
0x55: {  	v58 =	vshrl.u32 v3, $0x3  }
0x56: {  	v4 =	vmul.u32 $0x30, v58  }
0x57: {  	v3 =	vand.u32 $0x7, v3  }
0x58: {  	v3 =	vor.u32 v3, v4  }
0x59: {  	v4 =	vperm.xlane v3, v0;
	_ =	sdelay $0x1  }
0x5a: {  	v4 =	vadd.s32 v1, v4;
	_ =	sdelay $0x3  }
0x5b: {  	s0 =	rddreg [dreg:$0x11];
	v3 =	vperm.xlane v3, v2  }
0x5c: {  	[hbm4b:s3+s2] =	stream.indirect_vreg.scatter [tilespmem:s0], [sflag:$0x1], $0x80, v4, vm0, $0xb8;
	[tilespmem:$0x18080] =	vst v63  }
0x5d: {  	s8 =	rddreg [dreg:$0x12];
	v3 =	vadd.s32 v1, v3  }
0x5e: {  	[hbm4b:s4+s2] =	stream.indirect_vreg.scatter [tilespmem:s8], [sflag:$0x1], $0x80, v4, vm0, $0xb8;
	[tilespmem:$0x18080] =	vst v63  }
0x5f: {  	s0 =	rddreg [dreg:$0x13]  }
0x60: {  	[hbm4b:s5+s2] =	stream.indirect_vreg.scatter [tilespmem:s0], [sflag:$0x1], $0x80, v4, vm0, $0xb8;
	[tilespmem:$0x18080] =	vst v63  }
0x61: {  	s8 =	rddreg [dreg:$0x14]  }
0x62: {  	[hbm4b:s3+s2] =	stream.indirect_vreg.scatter [tilespmem:s8], [sflag:$0x1], $0x80, v3, vm0, $0xb8;
	[tilespmem:$0x18080] =	vst v63  }
0x63: {  	s0 =	rddreg [dreg:$0x15]  }
0x64: {  	[hbm4b:s4+s2] =	stream.indirect_vreg.scatter [tilespmem:s0], [sflag:$0x1], $0x80, v3, vm0, $0xb8;
	[tilespmem:$0x18080] =	vst v63  }
0x65: {  	s8 =	rddreg [dreg:$0x16]  }
0x66: {  	[hbm4b:s5+s2] =	stream.indirect_vreg.scatter [tilespmem:s8], [sflag:$0x1], $0x80, v3, vm0, $0xb8;
	[tilespmem:$0x18080] =	vst v63  }
0x67: {  	v3 =	vld [tilespmem:$0x18030];
	_ =	sdelay $0x4  }
0x68: {  	v59 =	vshrl.u32 v3, $0x3  }
0x69: {  	v4 =	vmul.u32 $0x30, v59  }
0x6a: {  	v3 =	vand.u32 $0x7, v3  }
0x6b: {  	v3 =	vor.u32 v3, v4  }
0x6c: {  	v4 =	vperm.xlane v3, v0;
	_ =	sdelay $0x1  }
0x6d: {  	v4 =	vadd.s32 v1, v4;
	_ =	sdelay $0x3  }
0x6e: {  	s0 =	rddreg [dreg:$0x17];
	v3 =	vperm.xlane v3, v2  }
0x6f: {  	[hbm4b:s3+s2] =	stream.indirect_vreg.scatter [tilespmem:s0], [sflag:$0x1], $0x80, v4, vm0, $0xb8;
	[tilespmem:$0x18080] =	vst v63  }
0x70: {  	s8 =	rddreg [dreg:$0x18];
	v3 =	vadd.s32 v1, v3  }
0x71: {  	[hbm4b:s4+s2] =	stream.indirect_vreg.scatter [tilespmem:s8], [sflag:$0x1], $0x80, v4, vm0, $0xb8;
	[tilespmem:$0x18080] =	vst v63  }
0x72: {  	s0 =	rddreg [dreg:$0x19]  }
0x73: {  	[hbm4b:s5+s2] =	stream.indirect_vreg.scatter [tilespmem:s0], [sflag:$0x1], $0x80, v4, vm0, $0xb8;
	[tilespmem:$0x18080] =	vst v63  }
0x74: {  	s8 =	rddreg [dreg:$0x1a]  }
0x75: {  	[hbm4b:s3+s2] =	stream.indirect_vreg.scatter [tilespmem:s8], [sflag:$0x1], $0x80, v3, vm0, $0xb8;
	[tilespmem:$0x18080] =	vst v63  }
0x76: {  	s0 =	rddreg [dreg:$0x1b]  }
0x77: {  	[hbm4b:s4+s2] =	stream.indirect_vreg.scatter [tilespmem:s0], [sflag:$0x1], $0x80, v3, vm0, $0xb8;
	[tilespmem:$0x18080] =	vst v63  }
0x78: {  	s8 =	rddreg [dreg:$0x1c]  }
0x79: {  	[hbm4b:s5+s2] =	stream.indirect_vreg.scatter [tilespmem:s8], [sflag:$0x1], $0x80, v3, vm0, $0xb8;
	[tilespmem:$0x18080] =	vst v63  }
0x7a: {  	v3 =	vld [tilespmem:$0x18040];
	_ =	sdelay $0x4  }
0x7b: {  	v60 =	vshrl.u32 v3, $0x3  }
0x7c: {  	v4 =	vmul.u32 $0x30, v60  }
0x7d: {  	v3 =	vand.u32 $0x7, v3  }
0x7e: {  	v3 =	vor.u32 v3, v4  }
0x7f: {  	v4 =	vperm.xlane v3, v0;
	_ =	sdelay $0x1  }
0x80: {  	v4 =	vadd.s32 v1, v4;
	_ =	sdelay $0x3  }
0x81: {  	s8 =	rddreg [dreg:$0x1d];
	v3 =	vperm.xlane v3, v2  }
0x82: {  	[hbm4b:s3+s2] =	stream.indirect_vreg.scatter [tilespmem:s8], [sflag:$0x1], $0x80, v4, vm0, $0xb8;
	[tilespmem:$0x18080] =	vst v63  }
0x83: {  	v3 =	vadd.s32 v1, v3;
	s8 =	simm.s32 $0xC800  }
0x84: {  	[hbm4b:s4+s2] =	stream.indirect_vreg.scatter [tilespmem:s8], [sflag:$0x1], $0x80, v4, vm0, $0xb8;
	[tilespmem:$0x18080] =	vst v63  }
0x85: {  	_ = 	snop  }
0x86: {  	[hbm4b:s5+s2] =	stream.indirect_vreg.scatter [tilespmem:s9], [sflag:$0x1], $0x80, v4, vm0, $0xb8;
	[tilespmem:$0x18080] =	vst v63  }
0x87: {  	_ = 	snop  }
0x88: {  	[hbm4b:s3+s2] =	stream.indirect_vreg.scatter [tilespmem:s10], [sflag:$0x1], $0x80, v3, vm0, $0xb8;
	[tilespmem:$0x18080] =	vst v63  }
0x89: {  	_ = 	snop  }
0x8a: {  	[hbm4b:s4+s2] =	stream.indirect_vreg.scatter [tilespmem:s11], [sflag:$0x1], $0x80, v3, vm0, $0xb8;
	[tilespmem:$0x18080] =	vst v63  }
0x8b: {  	_ = 	snop  }
0x8c: {  	[hbm4b:s5+s2] =	stream.indirect_vreg.scatter [tilespmem:s12], [sflag:$0x1], $0x80, v3, vm0, $0xb8;
	[tilespmem:$0x18080] =	vst v63  }
0x8d: {  	v3 =	vld [tilespmem:$0x18050];
	_ =	sdelay $0x4  }
0x8e: {  	v61 =	vshrl.u32 v3, $0x3  }
0x8f: {  	v4 =	vmul.u32 $0x30, v61  }
0x90: {  	v3 =	vand.u32 $0x7, v3  }
0x91: {  	v3 =	vor.u32 v3, v4  }
0x92: {  	v4 =	vperm.xlane v3, v0;
	_ =	sdelay $0x1  }
0x93: {  	v4 =	vadd.s32 v1, v4;
	_ =	sdelay $0x3  }
0x94: {  	v3 =	vperm.xlane v3, v2  }
0x95: {  	[hbm4b:s3+s2] =	stream.indirect_vreg.scatter [tilespmem:s13], [sflag:$0x1], $0x80, v4, vm0, $0xb8;
	[tilespmem:$0x18080] =	vst v63  }
0x96: {  	v3 =	vadd.s32 v1, v3  }
0x97: {  	[hbm4b:s4+s2] =	stream.indirect_vreg.scatter [tilespmem:s14], [sflag:$0x1], $0x80, v4, vm0, $0xb8;
	[tilespmem:$0x18080] =	vst v63  }
0x98: {  	_ = 	snop  }
0x99: {  	[hbm4b:s5+s2] =	stream.indirect_vreg.scatter [tilespmem:s15], [sflag:$0x1], $0x80, v4, vm0, $0xb8;
	[tilespmem:$0x18080] =	vst v63  }
0x9a: {  	_ = 	snop  }
0x9b: {  	[hbm4b:s3+s2] =	stream.indirect_vreg.scatter [tilespmem:s16], [sflag:$0x1], $0x80, v3, vm0, $0xb8;
	[tilespmem:$0x18080] =	vst v63  }
0x9c: {  	_ = 	snop  }
0x9d: {  	[hbm4b:s4+s2] =	stream.indirect_vreg.scatter [tilespmem:s17], [sflag:$0x1], $0x80, v3, vm0, $0xb8;
	[tilespmem:$0x18080] =	vst v63  }
0x9e: {  	_ = 	snop  }
0x9f: {  	[hbm4b:s5+s2] =	stream.indirect_vreg.scatter [tilespmem:s18], [sflag:$0x1], $0x80, v3, vm0, $0xb8;
	[tilespmem:$0x18080] =	vst v63  }
0xa0: {  	v3 =	vld [tilespmem:$0x18060];
	_ =	sdelay $0x4  }
0xa1: {  	v62 =	vshrl.u32 v3, $0x3  }
0xa2: {  	v4 =	vmul.u32 $0x30, v62  }
0xa3: {  	v3 =	vand.u32 $0x7, v3  }
0xa4: {  	v3 =	vor.u32 v3, v4  }
0xa5: {  	v4 =	vperm.xlane v3, v0;
	_ =	sdelay $0x1  }
0xa6: {  	v4 =	vadd.s32 v1, v4;
	_ =	sdelay $0x3  }
0xa7: {  	v3 =	vperm.xlane v3, v2  }
0xa8: {  	[hbm4b:s3+s2] =	stream.indirect_vreg.scatter [tilespmem:s19], [sflag:$0x1], $0x80, v4, vm0, $0xb8;
	[tilespmem:$0x18080] =	vst v63  }
0xa9: {  	v3 =	vadd.s32 v1, v3  }
0xaa: {  	[hbm4b:s4+s2] =	stream.indirect_vreg.scatter [tilespmem:s20], [sflag:$0x1], $0x80, v4, vm0, $0xb8;
	[tilespmem:$0x18080] =	vst v63  }
0xab: {  	_ = 	snop  }
0xac: {  	[hbm4b:s5+s2] =	stream.indirect_vreg.scatter [tilespmem:s21], [sflag:$0x1], $0x80, v4, vm0, $0xb8;
	[tilespmem:$0x18080] =	vst v63  }
0xad: {  	_ = 	snop  }
0xae: {  	[hbm4b:s3+s2] =	stream.indirect_vreg.scatter [tilespmem:s22], [sflag:$0x1], $0x80, v3, vm0, $0xb8;
	[tilespmem:$0x18080] =	vst v63  }
0xaf: {  	_ = 	snop  }
0xb0: {  	[hbm4b:s4+s2] =	stream.indirect_vreg.scatter [tilespmem:s23], [sflag:$0x1], $0x80, v3, vm0, $0xb8;
	[tilespmem:$0x18080] =	vst v63  }
0xb1: {  	_ = 	snop  }
0xb2: {  	[hbm4b:s5+s2] =	stream.indirect_vreg.scatter [tilespmem:s24], [sflag:$0x1], $0x80, v3, vm0, $0xb8;
	[tilespmem:$0x18080] =	vst v63  }
0xb3: {  	v3 =	vld [tilespmem:$0x18070];
	_ =	sdelay $0x4  }
0xb4: {  	v63 =	vshrl.u32 v3, $0x3  }
0xb5: {  	v4 =	vmul.u32 $0x30, v63  }
0xb6: {  	v3 =	vand.u32 $0x7, v3  }
0xb7: {  	v3 =	vor.u32 v3, v4  }
0xb8: {  	v4 =	vperm.xlane v3, v0;
	_ =	sdelay $0x1  }
0xb9: {  	v4 =	vadd.s32 v1, v4;
	_ =	sdelay $0x3  }
0xba: {  	v3 =	vperm.xlane v3, v2  }
0xbb: {  	[hbm4b:s3+s2] =	stream.indirect_vreg.scatter [tilespmem:s25], [sflag:$0x1], $0x80, v4, vm0, $0xb8;
	[tilespmem:$0x18080] =	vst v63  }
0xbc: {  	v3 =	vadd.s32 v1, v3  }
0xbd: {  	[hbm4b:s4+s2] =	stream.indirect_vreg.scatter [tilespmem:s26], [sflag:$0x1], $0x80, v4, vm0, $0xb8;
	[tilespmem:$0x18080] =	vst v63  }
0xbe: {  	_ = 	snop  }
0xbf: {  	[hbm4b:s5+s2] =	stream.indirect_vreg.scatter [tilespmem:s28], [sflag:$0x1], $0x80, v4, vm0, $0xb8;
	[tilespmem:$0x18080] =	vst v63  }
0xc0: {  	_ = 	snop  }
0xc1: {  	[hbm4b:s3+s2] =	stream.indirect_vreg.scatter [tilespmem:s29], [sflag:$0x1], $0x80, v3, vm0, $0xb8;
	[tilespmem:$0x18080] =	vst v63  }
0xc2: {  	p0 =	sne.s32 s6, $0x1  }
0xc3: {  	[hbm4b:s4+s2] =	stream.indirect_vreg.scatter [tilespmem:s30], [sflag:$0x1], $0x80, v3, vm0, $0xb8;
	[tilespmem:$0x18080] =	vst v63  }
.Ltmp0:
0xc4: {  	_ = 	snop;
	(pc) =	sbr.rel @p0 .LBB2_1-.Ltmp0, $4  }
0xc5: {  	[hbm4b:s5+s2] =	stream.indirect_vreg.scatter [tilespmem:s31], [sflag:$0x1], $0x80, v3, vm0, $0xb8;
	[tilespmem:$0x18080] =	vst v63  }
0xc6: {  	_ =	swait.ge [sflag:s1], $0x18000  }
0xc7: {  	[sflag:s1] =	ssyncset.done $0x0  }
0xc8: {  	s6 =	sadd.s32 $0xFFFFFFFF, s6;
	[sflag:s1] =	ssyncadd.s32 $0xFFFE8000  }
0xc9: {  	_ =	sfence.sel $0x180000  }
0xca: {  	[bflag:$0x0] =	sbarrier.arrive $0xFFFF  }
0xcb: {  	_ =	strace $0x90000047  }
0xcc: {  	s0 =	stileid.u32;
	[bflag:$0x2] =	sbarrier.arrive $0xFFFF  }
0xcd: {  	p0 =	sne.s32 s0, $0x0;
	s0 =	rddreg [dreg:$0x2]  }
0xce: {  	s0 =	sadd.s32 @!p0 $0x100000, s0  }
0xcf: {  	[sflag:s0] =	ssyncadd.tile.s32 @!p0 $0x1;
	_ =	shalt  }
.Lfunc_end2:
_tile_overlayer_lowered:
.L_overlay_start_2:
0xd0: {  	(tag) =	ssettag $0x2  }
0xd1: {  	s0 =	rddreg [dreg:$0x0];
	s2 =	stileid.u32  }
0xd2: {  	s1 =	rddreg [dreg:$0x1];
	p0 =	sne.s32 s2, $0x0  }
0xd3: {  	s3 =	rddreg [dreg:$0x2];
	[bflag:$0x3] =	sbarrier.arrive $0xFFFF;
	s2 =	simm.s32 @!p0 $0x1C02  }
0xd4: {  	[timem:s3], [sflag:s2] =	dma.local @!p0 [hbm:s0], s1  }
0xd5: {  	s0 =	simm.s32 @!p0 $0x2  }
0xd6: {  	_ =	swait.ge @!p0 [sflag:s0], s1  }
0xd7: {  	s1 =	ssub.s32 @!p0 $0x0, s1;
	[sflag:s0] =	ssyncset.done @!p0 $0x0  }
0xd8: {  	[sflag:s0] =	ssyncadd.s32 @!p0 s1  }
0xd9: {  	[bflag:$0x3] =	sbarrier.arrive $0xFFFF  }
0xda: {  	_ =	shalt  }

</sc_bundles>
